<compile_context>
chip_gen: v7x
topology: tpu7x:2x2x1
jax: 0.10.2.dev20260603
libtpu: 0.0.44.dev20260713+nightly
codegen_flags: <defaults>
</compile_context>

<pallas_src>
import functools

import jax
import jax.numpy as jnp
from jax import lax
from jax.experimental import pallas as pl
from jax.experimental.pallas import tpu as pltpu
from jax.experimental.pallas import tpu_sc as plsc

_TN = 0.1
_TP = 0.3

_W = 512
_PR = 512
_CR = 32
_SC_BATCH = 2
_CHF = 16384
_NW = 32


def _sc_body(pred_hbm, cm_hbm, am_hbm, out_hbm, pb0, tb0, pb1, tb1, res, sem0, sem1):
    span = _SC_BATCH * 2 * _PR * _W // _NW
    nchunk = span // _CHF
    spp = (_PR * _W) // span

    c = lax.axis_index("c")
    s = lax.axis_index("s")
    wid = s * 2 + c
    plane = wid // spp
    is_c = (plane % 2) == 0
    pbase = wid * span
    tbase = (plane // 2) * _PR * _W + (wid % spp) * span

    def start(j, pb, tb, sem):
        off = j * _CHF
        pltpu.async_copy(pred_hbm.at[pl.ds(pbase + off, _CHF)], pb, sem)

        @pl.when(is_c)
        def _():
            pltpu.async_copy(cm_hbm.at[pl.ds(tbase + off, _CHF)], tb, sem)

        @pl.when(jnp.logical_not(is_c))
        def _():
            pltpu.async_copy(am_hbm.at[pl.ds(tbase + off, _CHF)], tb, sem)

    def wait(pb, tb, sem):
        pltpu.make_async_copy(pred_hbm.at[pl.ds(0, _CHF)], pb, sem).wait()
        pltpu.make_async_copy(cm_hbm.at[pl.ds(0, _CHF)], tb, sem).wait()

    def compute(pb, tb, accs):
        def it(i, a):
            npos, nneg, psum, nsum = a
            p = pb[pl.ds(i * 16, 16)]
            t = tb[pl.ds(i * 16, 16)]
            d = p - t
            l = d * d
            fpos = jnp.where(t >= _TP, 1.0, 0.0).astype(jnp.float32)
            fneg = jnp.where(t < _TN, 1.0, 0.0).astype(jnp.float32)
            return (npos + fpos, nneg + fneg, psum + l * fpos, nsum + l * fneg)

        return lax.fori_loop(0, _CHF // 16, it, accs, unroll=8)

    z = jnp.zeros((16,), jnp.float32)
    accs = (z, z, z, z)
    start(0, pb0, tb0, sem0)

    def outer(k, a):
        wait(pb0, tb0, sem0)
        start(2 * k + 1, pb1, tb1, sem1)
        a = compute(pb0, tb0, a)
        wait(pb1, tb1, sem1)

        @pl.when(k + 1 < nchunk // 2)
        def _():
            start(2 * k + 2, pb0, tb0, sem0)

        return compute(pb1, tb1, a)

    accs = lax.fori_loop(0, nchunk // 2, outer, accs)
    for q in range(4):
        res[pl.ds(q * 16, 16)] = accs[q]
    pltpu.sync_copy(res, out_hbm.at[pl.ds(wid * 64, 64)])


def _tc_body(pred_ref, cm_ref, am_ref, acc_ref):
    b = pl.program_id(0)

    @pl.when(b == 0)
    def _init():
        acc_ref[...] = jnp.zeros_like(acc_ref)

    def fold(x):
        return jnp.sum(x.reshape(-1, 8, 512), axis=0)

    def stats(pred, tgt):
        d = pred - tgt
        loss = d * d
        fpos = (tgt >= _TP).astype(jnp.float32)
        fneg = (tgt < _TN).astype(jnp.float32)
        return fold(fpos), fold(fneg), fold(loss * fpos), fold(loss * fneg)

    rc = stats(pred_ref[:, 0].reshape(-1, 512), cm_ref[...].reshape(-1, 512))
    ra = stats(pred_ref[:, 1].reshape(-1, 512), am_ref[...].reshape(-1, 512))
    for q, v in enumerate(rc + ra):
        acc_ref[q] += v


def _combine(npos, nneg, psum, nsum):
    nkeep = jnp.minimum(jnp.maximum(1000.0, 3.0 * npos), nneg)
    return (psum + nsum) / (npos + nkeep)


def kernel(output, character_map, affinity_map):
    B, C, H, W = output.shape
    bt = B - _SC_BATCH

    mesh = plsc.VectorSubcoreMesh(core_axis_name="c", subcore_axis_name="s")
    sc_stats = functools.partial(
        pl.kernel,
        mesh=mesh,
        out_type=jax.ShapeDtypeStruct((_NW * 64,), jnp.float32),
        scratch_types=[
            pltpu.VMEM((_CHF,), jnp.float32),
            pltpu.VMEM((_CHF,), jnp.float32),
            pltpu.VMEM((_CHF,), jnp.float32),
            pltpu.VMEM((_CHF,), jnp.float32),
            pltpu.VMEM((64,), jnp.float32),
            pltpu.SemaphoreType.DMA,
            pltpu.SemaphoreType.DMA,
        ],
    )(_sc_body)
    sc_part = sc_stats(
        output[bt:].reshape(_SC_BATCH * C * H * W),
        character_map[bt:].reshape(_SC_BATCH * H * W),
        affinity_map[bt:].reshape(_SC_BATCH * H * W),
    )

    tc_acc = pl.pallas_call(
        _tc_body,
        grid=(bt // 2,),
        in_specs=[
            pl.BlockSpec((2, C, H, W), lambda b: (b, 0, 0, 0)),
            pl.BlockSpec((2, H, W), lambda b: (b, 0, 0)),
            pl.BlockSpec((2, H, W), lambda b: (b, 0, 0)),
        ],
        out_specs=pl.BlockSpec((8, 8, 512), lambda b: (0, 0, 0)),
        out_shape=jax.ShapeDtypeStruct((8, 8, 512), jnp.float32),
    )(output, character_map, affinity_map)

    s_tc = jnp.sum(tc_acc, axis=(1, 2))

    spp = _NW // (2 * _SC_BATCH)
    p = sc_part.reshape(_NW, 4, 16).sum(axis=2)
    p = p.reshape(2 * _SC_BATCH, spp, 4).sum(axis=1)
    s_sc_c = p[0::2].sum(axis=0)
    s_sc_a = p[1::2].sum(axis=0)

    loss_c = _combine(s_tc[0] + s_sc_c[0], s_tc[1] + s_sc_c[1],
                      s_tc[2] + s_sc_c[2], s_tc[3] + s_sc_c[3])
    loss_a = _combine(s_tc[4] + s_sc_a[0], s_tc[5] + s_sc_a[1],
                      s_tc[6] + s_sc_a[2], s_tc[7] + s_sc_a[3])
    return loss_c + loss_a

# --- scband reference (transcript-rebuilt; emitter-appended) ---
"""Pipeline reference for scband-criterian-85392539779131 (READ-ONLY COPY).

The authoritative reference and input builder live on the scoring server;
editing this copy changes nothing except your own understanding.
"""

import jax, jax.numpy as jnp
import numpy as np

THRESHOLD_NEGATIVE = 0.1
THRESHOLD_POSITIVE = 0.3


def hard_negative_mining(pred, target):
    # MSE loss per pixel, reduction='none'
    all_loss = (pred - target) ** 2
    positive_mask = target >= THRESHOLD_POSITIVE
    negative_mask = target < THRESHOLD_NEGATIVE
    n = target.shape[0]
    n_pos = jnp.sum(positive_mask)
    n_neg = jnp.sum(negative_mask)
    positive_loss_sum = jnp.sum(jnp.where(positive_mask, all_loss, 0.0))
    negative_loss = jnp.where(negative_mask, all_loss, -jnp.inf)
    n_keep = jnp.minimum(jnp.maximum(1000, 3 * n_pos), n_neg)
    order = jnp.argsort(-negative_loss)
    sorted_negative = negative_loss[order]
    keep_mask = jnp.arange(n) < n_keep
    hard_negative_sum = jnp.sum(jnp.where(keep_mask, sorted_negative, 0.0))
    return (positive_loss_sum + hard_negative_sum) / (n_pos + n_keep)


def setup_inputs(seed: int = 0) -> dict:
    key = jax.random.key(seed)
    k1, k2, k3 = jax.random.split(key, 3)
    B, H, W = 16, 512, 512
    output = jax.random.normal(k1, (B, 2, H, W), dtype=jnp.float32)
    character_map = jax.random.uniform(k2, (B, H, W), dtype=jnp.float32)
    affinity_map = jax.random.uniform(k3, (B, H, W), dtype=jnp.float32)
    return {"output": output, "character_map": character_map, "affinity_map": affinity_map}


def reference(output, character_map, affinity_map):
    B, C, H, W = output.shape
    out = jnp.transpose(output, (0, 2, 3, 1)).reshape(B * H * W, C)
    character = out[:, 0]
    affinity = out[:, 1]
    cm = character_map.reshape(B * H * W)
    am = affinity_map.reshape(B * H * W)
    loss_character = hard_negative_mining(character, cm)
    loss_affinity = hard_negative_mining(affinity, am)
    return loss_character + loss_affinity

if __name__ == "__main__":
    import jax
    _d = setup_inputs()
    print(jax.jit(kernel)(*tuple(_d.values())))

</pallas_src>

<mosaic_0001>
#map = affine_map<(d0, d1) -> (0)>
module attributes {stable_mosaic.version = 14 : i64} {
  func.func @_sc_body(%arg0: i32, %arg1: i32, %arg2: memref<1048576xf32, #tpu.memory_space<hbm>>, %arg3: memref<524288xf32, #tpu.memory_space<hbm>>, %arg4: memref<524288xf32, #tpu.memory_space<hbm>>, %arg5: memref<2048xf32, #tpu.memory_space<hbm>>, %arg6: memref<16384xf32, #tpu.memory_space<vmem>>, %arg7: memref<16384xf32, #tpu.memory_space<vmem>>, %arg8: memref<16384xf32, #tpu.memory_space<vmem>>, %arg9: memref<16384xf32, #tpu.memory_space<vmem>>, %arg10: memref<64xf32, #tpu.memory_space<vmem>>, %arg11: memref<!tpu.dma_semaphore, #tpu.memory_space<semaphore_mem>>, %arg12: memref<!tpu.dma_semaphore, #tpu.memory_space<semaphore_mem>>) attributes {dimension_semantics = [#tpu.dimension_semantics<core_parallel>, #tpu.dimension_semantics<subcore_parallel>], iteration_bounds = array<i64: 2, 16>, scalar_prefetch = 0 : i64, scratch_operands = 7 : i64, tpu.core_type = #tpu.core_type<sc_vector_subcore>, window_params = [{transform_indices = #map}, {transform_indices = #map}, {transform_indices = #map}, {transform_indices = #map}]} {
    %mul3A = arith.constant 2 : i32
    %mul3A_0 = arith.muli %arg1, %mul3A : i32
    %add3A = arith.addi %mul3A_0, %arg0 : i32
    %jit3A = arith.constant 8 : i32
    %div3A = arith.divsi %add3A, %jit3A : i32
    %sign3A = arith.constant 0 : i32
    %sign3A_1 = arith.cmpi sgt, %add3A, %sign3A : i32
    %sign3A_2 = arith.extui %sign3A_1 : i1 to i32
    %sign3A_3 = arith.constant 0 : i32
    %sign3A_4 = arith.cmpi slt, %add3A, %sign3A_3 : i32
    %sign3A_5 = arith.extui %sign3A_4 : i1 to i32
    %sign3A_6 = arith.subi %sign3A_2, %sign3A_5 : i32
    %sign3A_7 = arith.constant 0 : i32
    %sign3A_8 = arith.cmpi sgt, %jit3A, %sign3A_7 : i32
    %sign3A_9 = arith.extui %sign3A_8 : i1 to i32
    %sign3A_10 = arith.constant 0 : i32
    %sign3A_11 = arith.cmpi slt, %jit3A, %sign3A_10 : i32
    %sign3A_12 = arith.extui %sign3A_11 : i1 to i32
    %sign3A_13 = arith.subi %sign3A_9, %sign3A_12 : i32
    %ne3A = arith.cmpi ne, %sign3A_6, %sign3A_13 : i32
    %rem3A = arith.remsi %add3A, %jit3A : i32
    %ne3A_14 = arith.constant 0 : i32
    %ne3A_15 = arith.cmpi ne, %rem3A, %ne3A_14 : i32
    %and3A = arith.andi %ne3A, %ne3A_15 : i1
    %sub3A = arith.constant 1 : i32
    %sub3A_16 = arith.subi %div3A, %sub3A : i32
    %select_n3A = arith.select %and3A, %sub3A_16, %div3A : i32
    %jit3A_17 = arith.constant 2 : i32
    %eq3A = arith.constant 0 : i32
    %eq3A_18 = arith.cmpi eq, %jit3A_17, %eq3A : i32
    %jit3A_19 = arith.constant 1 : i32
    %select_n3A_20 = arith.select %eq3A_18, %jit3A_19, %jit3A_17 : i32
    %rem3A_21 = arith.remsi %select_n3A, %select_n3A_20 : i32
    %ne3A_22 = arith.constant 0 : i32
    %ne3A_23 = arith.cmpi ne, %rem3A_21, %ne3A_22 : i32
    %lt3A = arith.constant 0 : i32
    %lt3A_24 = arith.cmpi slt, %rem3A_21, %lt3A : i32
    %lt3A_25 = arith.constant 0 : i32
    %lt3A_26 = arith.cmpi slt, %select_n3A_20, %lt3A_25 : i32
    %ne3A_27 = arith.xori %lt3A_24, %lt3A_26 : i1
    %and3A_28 = arith.andi %ne3A_27, %ne3A_23 : i1
    %add3A_29 = arith.addi %rem3A_21, %select_n3A_20 : i32
    %select_n3A_30 = arith.select %and3A_28, %add3A_29, %rem3A_21 : i32
    %eq3A_31 = arith.constant 0 : i32
    %eq3A_32 = arith.cmpi eq, %select_n3A_30, %eq3A_31 : i32
    %mul3A_33 = arith.constant 32768 : i32
    %mul3A_34 = arith.muli %add3A, %mul3A_33 : i32
    %jit3A_35 = arith.constant 2 : i32
    %div3A_36 = arith.divsi %select_n3A, %jit3A_35 : i32
    %sign3A_37 = arith.constant 0 : i32
    %sign3A_38 = arith.cmpi sgt, %select_n3A, %sign3A_37 : i32
    %sign3A_39 = arith.extui %sign3A_38 : i1 to i32
    %sign3A_40 = arith.constant 0 : i32
    %sign3A_41 = arith.cmpi slt, %select_n3A, %sign3A_40 : i32
    %sign3A_42 = arith.extui %sign3A_41 : i1 to i32
    %sign3A_43 = arith.subi %sign3A_39, %sign3A_42 : i32
    %sign3A_44 = arith.constant 0 : i32
    %sign3A_45 = arith.cmpi sgt, %jit3A_35, %sign3A_44 : i32
    %sign3A_46 = arith.extui %sign3A_45 : i1 to i32
    %sign3A_47 = arith.constant 0 : i32
    %sign3A_48 = arith.cmpi slt, %jit3A_35, %sign3A_47 : i32
    %sign3A_49 = arith.extui %sign3A_48 : i1 to i32
    %sign3A_50 = arith.subi %sign3A_46, %sign3A_49 : i32
    %ne3A_51 = arith.cmpi ne, %sign3A_43, %sign3A_50 : i32
    %rem3A_52 = arith.remsi %select_n3A, %jit3A_35 : i32
    %ne3A_53 = arith.constant 0 : i32
    %ne3A_54 = arith.cmpi ne, %rem3A_52, %ne3A_53 : i32
    %and3A_55 = arith.andi %ne3A_51, %ne3A_54 : i1
    %sub3A_56 = arith.constant 1 : i32
    %sub3A_57 = arith.subi %div3A_36, %sub3A_56 : i32
    %select_n3A_58 = arith.select %and3A_55, %sub3A_57, %div3A_36 : i32
    %mul3A_59 = arith.constant 512 : i32
    %mul3A_60 = arith.muli %select_n3A_58, %mul3A_59 : i32
    %mul3A_61 = arith.constant 512 : i32
    %mul3A_62 = arith.muli %mul3A_60, %mul3A_61 : i32
    %jit3A_63 = arith.constant 8 : i32
    %eq3A_64 = arith.constant 0 : i32
    %eq3A_65 = arith.cmpi eq, %jit3A_63, %eq3A_64 : i32
    %jit3A_66 = arith.constant 1 : i32
    %select_n3A_67 = arith.select %eq3A_65, %jit3A_66, %jit3A_63 : i32
    %rem3A_68 = arith.remsi %add3A, %select_n3A_67 : i32
    %ne3A_69 = arith.constant 0 : i32
    %ne3A_70 = arith.cmpi ne, %rem3A_68, %ne3A_69 : i32
    %lt3A_71 = arith.constant 0 : i32
    %lt3A_72 = arith.cmpi slt, %rem3A_68, %lt3A_71 : i32
    %lt3A_73 = arith.constant 0 : i32
    %lt3A_74 = arith.cmpi slt, %select_n3A_67, %lt3A_73 : i32
    %ne3A_75 = arith.xori %lt3A_72, %lt3A_74 : i1
    %and3A_76 = arith.andi %ne3A_75, %ne3A_70 : i1
    %add3A_77 = arith.addi %rem3A_68, %select_n3A_67 : i32
    %select_n3A_78 = arith.select %and3A_76, %add3A_77, %rem3A_68 : i32
    %mul3A_79 = arith.constant 32768 : i32
    %mul3A_80 = arith.muli %select_n3A_78, %mul3A_79 : i32
    %add3A_81 = arith.addi %mul3A_62, %mul3A_80 : i32
    %broadcast_in_dim3A = arith.constant 0.000000e+00 : f32
    %broadcast_in_dim3A_82 = vector.broadcast %broadcast_in_dim3A : f32 to vector<16xf32>
    %add3A_83 = arith.constant 0 : i32
    %add3A_84 = arith.addi %mul3A_34, %add3A_83 : i32
    %dma_start3A = tpu.memref_slice %arg2[%add3A_84] : memref<1048576xf32, #tpu.memory_space<hbm>> -> memref<16384xf32, #tpu.memory_space<hbm>>
    %dma_start3A_85 = tpu.memref_slice %arg2[%add3A_84] : memref<1048576xf32, #tpu.memory_space<hbm>> -> memref<16384xf32, #tpu.memory_space<hbm>>
    tpu.enqueue_dma source(%dma_start3A_85 : memref<16384xf32, #tpu.memory_space<hbm>>) target(%arg6 : memref<16384xf32, #tpu.memory_space<vmem>>) target_semaphore(%arg11 : memref<!tpu.dma_semaphore, #tpu.memory_space<semaphore_mem>>)
    %convert_element_type3A = arith.extui %eq3A_32 : i1 to i32
    %cond3A = arith.constant 0 : i32
    %cond3A_86 = arith.cmpi ne, %convert_element_type3A, %cond3A : i32
    scf.if %cond3A_86 {
      %add3A_160 = arith.constant 0 : i32
      %add3A_161 = arith.addi %add3A_81, %add3A_160 : i32
      %dma_start3A_162 = tpu.memref_slice %arg3[%add3A_161] : memref<524288xf32, #tpu.memory_space<hbm>> -> memref<16384xf32, #tpu.memory_space<hbm>>
      %dma_start3A_163 = tpu.memref_slice %arg3[%add3A_161] : memref<524288xf32, #tpu.memory_space<hbm>> -> memref<16384xf32, #tpu.memory_space<hbm>>
      tpu.enqueue_dma source(%dma_start3A_163 : memref<16384xf32, #tpu.memory_space<hbm>>) target(%arg7 : memref<16384xf32, #tpu.memory_space<vmem>>) target_semaphore(%arg11 : memref<!tpu.dma_semaphore, #tpu.memory_space<semaphore_mem>>)
    } else {
    }
    %not3A = arith.constant true
    %not3A_87 = arith.xori %eq3A_32, %not3A : i1
    %convert_element_type3A_88 = arith.extui %not3A_87 : i1 to i32
    %cond3A_89 = arith.constant 0 : i32
    %cond3A_90 = arith.cmpi ne, %convert_element_type3A_88, %cond3A_89 : i32
    scf.if %cond3A_90 {
      %add3A_160 = arith.constant 0 : i32
      %add3A_161 = arith.addi %add3A_81, %add3A_160 : i32
      %dma_start3A_162 = tpu.memref_slice %arg4[%add3A_161] : memref<524288xf32, #tpu.memory_space<hbm>> -> memref<16384xf32, #tpu.memory_space<hbm>>
      %dma_start3A_163 = tpu.memref_slice %arg4[%add3A_161] : memref<524288xf32, #tpu.memory_space<hbm>> -> memref<16384xf32, #tpu.memory_space<hbm>>
      tpu.enqueue_dma source(%dma_start3A_163 : memref<16384xf32, #tpu.memory_space<hbm>>) target(%arg7 : memref<16384xf32, #tpu.memory_space<vmem>>) target_semaphore(%arg11 : memref<!tpu.dma_semaphore, #tpu.memory_space<semaphore_mem>>)
    } else {
    }
    %scan3A = arith.constant 0 : i32
    %dma_wait3A = arith.constant 0 : i32
    %dma_wait3A_91 = tpu.memref_slice %arg2[%dma_wait3A] : memref<1048576xf32, #tpu.memory_space<hbm>> -> memref<16384xf32, #tpu.memory_space<hbm>>
    %dma_wait3A_92 = arith.constant 0 : i32
    %dma_wait3A_93 = tpu.memref_slice %arg2[%dma_wait3A_92] : memref<1048576xf32, #tpu.memory_space<hbm>> -> memref<16384xf32, #tpu.memory_space<hbm>>
    tpu.wait_dma2 semaphore(%arg11 : memref<!tpu.dma_semaphore, #tpu.memory_space<semaphore_mem>>) src(%dma_wait3A_93 : memref<16384xf32, #tpu.memory_space<hbm>>) dst(%arg6 : memref<16384xf32, #tpu.memory_space<vmem>>)
    %dma_wait3A_94 = arith.constant 0 : i32
    %dma_wait3A_95 = tpu.memref_slice %arg3[%dma_wait3A_94] : memref<524288xf32, #tpu.memory_space<hbm>> -> memref<16384xf32, #tpu.memory_space<hbm>>
    %dma_wait3A_96 = arith.constant 0 : i32
    %dma_wait3A_97 = tpu.memref_slice %arg3[%dma_wait3A_96] : memref<524288xf32, #tpu.memory_space<hbm>> -> memref<16384xf32, #tpu.memory_space<hbm>>
    tpu.wait_dma2 semaphore(%arg11 : memref<!tpu.dma_semaphore, #tpu.memory_space<semaphore_mem>>) src(%dma_wait3A_97 : memref<16384xf32, #tpu.memory_space<hbm>>) dst(%arg7 : memref<16384xf32, #tpu.memory_space<vmem>>)
    %mul3A_98 = arith.constant 2 : i32
    %mul3A_99 = arith.muli %mul3A_98, %scan3A : i32
    %add3A_100 = arith.constant 1 : i32
    %add3A_101 = arith.addi %mul3A_99, %add3A_100 : i32
    %mul3A_102 = arith.constant 16384 : i32
    %mul3A_103 = arith.muli %add3A_101, %mul3A_102 : i32
    %add3A_104 = arith.addi %mul3A_34, %mul3A_103 : i32
    %dma_start3A_105 = tpu.memref_slice %arg2[%add3A_104] : memref<1048576xf32, #tpu.memory_space<hbm>> -> memref<16384xf32, #tpu.memory_space<hbm>>
    %dma_start3A_106 = tpu.memref_slice %arg2[%add3A_104] : memref<1048576xf32, #tpu.memory_space<hbm>> -> memref<16384xf32, #tpu.memory_space<hbm>>
    tpu.enqueue_dma source(%dma_start3A_106 : memref<16384xf32, #tpu.memory_space<hbm>>) target(%arg8 : memref<16384xf32, #tpu.memory_space<vmem>>) target_semaphore(%arg12 : memref<!tpu.dma_semaphore, #tpu.memory_space<semaphore_mem>>)
    %convert_element_type3A_107 = arith.extui %eq3A_32 : i1 to i32
    %cond3A_108 = arith.constant 0 : i32
    %cond3A_109 = arith.cmpi ne, %convert_element_type3A_107, %cond3A_108 : i32
    scf.if %cond3A_109 {
      %add3A_160 = arith.addi %add3A_81, %mul3A_103 : i32
      %dma_start3A_161 = tpu.memref_slice %arg3[%add3A_160] : memref<524288xf32, #tpu.memory_space<hbm>> -> memref<16384xf32, #tpu.memory_space<hbm>>
      %dma_start3A_162 = tpu.memref_slice %arg3[%add3A_160] : memref<524288xf32, #tpu.memory_space<hbm>> -> memref<16384xf32, #tpu.memory_space<hbm>>
      tpu.enqueue_dma source(%dma_start3A_162 : memref<16384xf32, #tpu.memory_space<hbm>>) target(%arg9 : memref<16384xf32, #tpu.memory_space<vmem>>) target_semaphore(%arg12 : memref<!tpu.dma_semaphore, #tpu.memory_space<semaphore_mem>>)
    } else {
    }
    %not3A_110 = arith.constant true
    %not3A_111 = arith.xori %eq3A_32, %not3A_110 : i1
    %convert_element_type3A_112 = arith.extui %not3A_111 : i1 to i32
    %cond3A_113 = arith.constant 0 : i32
    %cond3A_114 = arith.cmpi ne, %convert_element_type3A_112, %cond3A_113 : i32
    scf.if %cond3A_114 {
      %add3A_160 = arith.addi %add3A_81, %mul3A_103 : i32
      %dma_start3A_161 = tpu.memref_slice %arg4[%add3A_160] : memref<524288xf32, #tpu.memory_space<hbm>> -> memref<16384xf32, #tpu.memory_space<hbm>>
      %dma_start3A_162 = tpu.memref_slice %arg4[%add3A_160] : memref<524288xf32, #tpu.memory_space<hbm>> -> memref<16384xf32, #tpu.memory_space<hbm>>
      tpu.enqueue_dma source(%dma_start3A_162 : memref<16384xf32, #tpu.memory_space<hbm>>) target(%arg9 : memref<16384xf32, #tpu.memory_space<vmem>>) target_semaphore(%arg12 : memref<!tpu.dma_semaphore, #tpu.memory_space<semaphore_mem>>)
    } else {
    }
    %scan3A_115 = arith.constant 0 : i32
    %scan3A_116 = arith.constant 1024 : i32
    %scan3A_117 = arith.addi %scan3A_115, %scan3A_116 : i32
    %scan3A_118 = arith.constant 8 : i32
    %scan3A_119:4 = scf.for %scan3A_160 = %scan3A_115 to %scan3A_117 step %scan3A_118 iter_args(%scan3A_161 = %broadcast_in_dim3A_82, %scan3A_162 = %broadcast_in_dim3A_82, %scan3A_163 = %broadcast_in_dim3A_82, %scan3A_164 = %broadcast_in_dim3A_82) -> (vector<16xf32>, vector<16xf32>, vector<16xf32>, vector<16xf32>)  : i32 {
      %mul3A_165 = arith.constant 16 : i32
      %mul3A_166 = arith.muli %scan3A_160, %mul3A_165 : i32
      %get3A = arith.index_cast %mul3A_166 : i32 to index
      %get3A_167 = tpu.vector_load %arg6[%get3A] {strides = array<i32>} : memref<16384xf32, #tpu.memory_space<vmem>>, vector<16xf32>,
      %get3A_168 = vector.shape_cast %get3A_167 : vector<16xf32> to vector<16xf32>
      %mul3A_169 = arith.constant 16 : i32
      %mul3A_170 = arith.muli %scan3A_160, %mul3A_169 : i32
      %get3A_171 = arith.index_cast %mul3A_170 : i32 to index
      %get3A_172 = tpu.vector_load %arg7[%get3A_171] {strides = array<i32>} : memref<16384xf32, #tpu.memory_space<vmem>>, vector<16xf32>,
      %get3A_173 = vector.shape_cast %get3A_172 : vector<16xf32> to vector<16xf32>
      %sub3A_174 = arith.subf %get3A_168, %get3A_173 : vector<16xf32>
      %mul3A_175 = arith.mulf %sub3A_174, %sub3A_174 : vector<16xf32>
      %ge3A = arith.constant 3.000000e-01 : f32
      %ge3A_176 = vector.broadcast %ge3A : f32 to vector<16xf32>
      %ge3A_177 = arith.cmpf oge, %get3A_173, %ge3A_176 : vector<16xf32>
      %jit3A_178 = arith.constant 1.000000e+00 : f32
      %jit3A_179 = arith.constant 0.000000e+00 : f32
      %broadcast_in_dim3A_180 = vector.broadcast %jit3A_178 : f32 to vector<16xf32>
      %broadcast_in_dim3A_181 = vector.broadcast %jit3A_179 : f32 to vector<16xf32>
      %select_n3A_182 = arith.select %ge3A_177, %broadcast_in_dim3A_180, %broadcast_in_dim3A_181 : vector<16xi1>, vector<16xf32>
      %lt3A_183 = arith.constant 1.000000e-01 : f32
      %lt3A_184 = vector.broadcast %lt3A_183 : f32 to vector<16xf32>
      %lt3A_185 = arith.cmpf olt, %get3A_173, %lt3A_184 : vector<16xf32>
      %jit3A_186 = arith.constant 1.000000e+00 : f32
      %jit3A_187 = arith.constant 0.000000e+00 : f32
      %broadcast_in_dim3A_188 = vector.broadcast %jit3A_186 : f32 to vector<16xf32>
      %broadcast_in_dim3A_189 = vector.broadcast %jit3A_187 : f32 to vector<16xf32>
      %select_n3A_190 = arith.select %lt3A_185, %broadcast_in_dim3A_188, %broadcast_in_dim3A_189 : vector<16xi1>, vector<16xf32>
      %add3A_191 = arith.addf %scan3A_161, %select_n3A_182 : vector<16xf32>
      %add3A_192 = arith.addf %scan3A_162, %select_n3A_190 : vector<16xf32>
      %mul3A_193 = arith.mulf %mul3A_175, %select_n3A_182 : vector<16xf32>
      %add3A_194 = arith.addf %scan3A_163, %mul3A_193 : vector<16xf32>
      %mul3A_195 = arith.mulf %mul3A_175, %select_n3A_190 : vector<16xf32>
      %add3A_196 = arith.addf %scan3A_164, %mul3A_195 : vector<16xf32>
      %scan3A_197 = arith.constant 1 : i32
      %scan3A_198 = arith.addi %scan3A_160, %scan3A_197 : i32
      %mul3A_199 = arith.constant 16 : i32
      %mul3A_200 = arith.muli %scan3A_198, %mul3A_199 : i32
      %get3A_201 = arith.index_cast %mul3A_200 : i32 to index
      %get3A_202 = tpu.vector_load %arg6[%get3A_201] {strides = array<i32>} : memref<16384xf32, #tpu.memory_space<vmem>>, vector<16xf32>,
      %get3A_203 = vector.shape_cast %get3A_202 : vector<16xf32> to vector<16xf32>
      %mul3A_204 = arith.constant 16 : i32
      %mul3A_205 = arith.muli %scan3A_198, %mul3A_204 : i32
      %get3A_206 = arith.index_cast %mul3A_205 : i32 to index
      %get3A_207 = tpu.vector_load %arg7[%get3A_206] {strides = array<i32>} : memref<16384xf32, #tpu.memory_space<vmem>>, vector<16xf32>,
      %get3A_208 = vector.shape_cast %get3A_207 : vector<16xf32> to vector<16xf32>
      %sub3A_209 = arith.subf %get3A_203, %get3A_208 : vector<16xf32>
      %mul3A_210 = arith.mulf %sub3A_209, %sub3A_209 : vector<16xf32>
      %ge3A_211 = arith.constant 3.000000e-01 : f32
      %ge3A_212 = vector.broadcast %ge3A_211 : f32 to vector<16xf32>
      %ge3A_213 = arith.cmpf oge, %get3A_208, %ge3A_212 : vector<16xf32>
      %jit3A_214 = arith.constant 1.000000e+00 : f32
      %jit3A_215 = arith.constant 0.000000e+00 : f32
      %broadcast_in_dim3A_216 = vector.broadcast %jit3A_214 : f32 to vector<16xf32>
      %broadcast_in_dim3A_217 = vector.broadcast %jit3A_215 : f32 to vector<16xf32>
      %select_n3A_218 = arith.select %ge3A_213, %broadcast_in_dim3A_216, %broadcast_in_dim3A_217 : vector<16xi1>, vector<16xf32>
      %lt3A_219 = arith.constant 1.000000e-01 : f32
      %lt3A_220 = vector.broadcast %lt3A_219 : f32 to vector<16xf32>
      %lt3A_221 = arith.cmpf olt, %get3A_208, %lt3A_220 : vector<16xf32>
      %jit3A_222 = arith.constant 1.000000e+00 : f32
      %jit3A_223 = arith.constant 0.000000e+00 : f32
      %broadcast_in_dim3A_224 = vector.broadcast %jit3A_222 : f32 to vector<16xf32>
      %broadcast_in_dim3A_225 = vector.broadcast %jit3A_223 : f32 to vector<16xf32>
      %select_n3A_226 = arith.select %lt3A_221, %broadcast_in_dim3A_224, %broadcast_in_dim3A_225 : vector<16xi1>, vector<16xf32>
      %add3A_227 = arith.addf %add3A_191, %select_n3A_218 : vector<16xf32>
      %add3A_228 = arith.addf %add3A_192, %select_n3A_226 : vector<16xf32>
      %mul3A_229 = arith.mulf %mul3A_210, %select_n3A_218 : vector<16xf32>
      %add3A_230 = arith.addf %add3A_194, %mul3A_229 : vector<16xf32>
      %mul3A_231 = arith.mulf %mul3A_210, %select_n3A_226 : vector<16xf32>
      %add3A_232 = arith.addf %add3A_196, %mul3A_231 : vector<16xf32>
      %scan3A_233 = arith.constant 2 : i32
      %scan3A_234 = arith.addi %scan3A_160, %scan3A_233 : i32
      %mul3A_235 = arith.constant 16 : i32
      %mul3A_236 = arith.muli %scan3A_234, %mul3A_235 : i32
      %get3A_237 = arith.index_cast %mul3A_236 : i32 to index
      %get3A_238 = tpu.vector_load %arg6[%get3A_237] {strides = array<i32>} : memref<16384xf32, #tpu.memory_space<vmem>>, vector<16xf32>,
      %get3A_239 = vector.shape_cast %get3A_238 : vector<16xf32> to vector<16xf32>
      %mul3A_240 = arith.constant 16 : i32
      %mul3A_241 = arith.muli %scan3A_234, %mul3A_240 : i32
      %get3A_242 = arith.index_cast %mul3A_241 : i32 to index
      %get3A_243 = tpu.vector_load %arg7[%get3A_242] {strides = array<i32>} : memref<16384xf32, #tpu.memory_space<vmem>>, vector<16xf32>,
      %get3A_244 = vector.shape_cast %get3A_243 : vector<16xf32> to vector<16xf32>
      %sub3A_245 = arith.subf %get3A_239, %get3A_244 : vector<16xf32>
      %mul3A_246 = arith.mulf %sub3A_245, %sub3A_245 : vector<16xf32>
      %ge3A_247 = arith.constant 3.000000e-01 : f32
      %ge3A_248 = vector.broadcast %ge3A_247 : f32 to vector<16xf32>
      %ge3A_249 = arith.cmpf oge, %get3A_244, %ge3A_248 : vector<16xf32>
      %jit3A_250 = arith.constant 1.000000e+00 : f32
      %jit3A_251 = arith.constant 0.000000e+00 : f32
      %broadcast_in_dim3A_252 = vector.broadcast %jit3A_250 : f32 to vector<16xf32>
      %broadcast_in_dim3A_253 = vector.broadcast %jit3A_251 : f32 to vector<16xf32>
      %select_n3A_254 = arith.select %ge3A_249, %broadcast_in_dim3A_252, %broadcast_in_dim3A_253 : vector<16xi1>, vector<16xf32>
      %lt3A_255 = arith.constant 1.000000e-01 : f32
      %lt3A_256 = vector.broadcast %lt3A_255 : f32 to vector<16xf32>
      %lt3A_257 = arith.cmpf olt, %get3A_244, %lt3A_256 : vector<16xf32>
      %jit3A_258 = arith.constant 1.000000e+00 : f32
      %jit3A_259 = arith.constant 0.000000e+00 : f32
      %broadcast_in_dim3A_260 = vector.broadcast %jit3A_258 : f32 to vector<16xf32>
      %broadcast_in_dim3A_261 = vector.broadcast %jit3A_259 : f32 to vector<16xf32>
      %select_n3A_262 = arith.select %lt3A_257, %broadcast_in_dim3A_260, %broadcast_in_dim3A_261 : vector<16xi1>, vector<16xf32>
      %add3A_263 = arith.addf %add3A_227, %select_n3A_254 : vector<16xf32>
      %add3A_264 = arith.addf %add3A_228, %select_n3A_262 : vector<16xf32>
      %mul3A_265 = arith.mulf %mul3A_246, %select_n3A_254 : vector<16xf32>
      %add3A_266 = arith.addf %add3A_230, %mul3A_265 : vector<16xf32>
      %mul3A_267 = arith.mulf %mul3A_246, %select_n3A_262 : vector<16xf32>
      %add3A_268 = arith.addf %add3A_232, %mul3A_267 : vector<16xf32>
      %scan3A_269 = arith.constant 3 : i32
      %scan3A_270 = arith.addi %scan3A_160, %scan3A_269 : i32
      %mul3A_271 = arith.constant 16 : i32
      %mul3A_272 = arith.muli %scan3A_270, %mul3A_271 : i32
      %get3A_273 = arith.index_cast %mul3A_272 : i32 to index
      %get3A_274 = tpu.vector_load %arg6[%get3A_273] {strides = array<i32>} : memref<16384xf32, #tpu.memory_space<vmem>>, vector<16xf32>,
      %get3A_275 = vector.shape_cast %get3A_274 : vector<16xf32> to vector<16xf32>
      %mul3A_276 = arith.constant 16 : i32
      %mul3A_277 = arith.muli %scan3A_270, %mul3A_276 : i32
      %get3A_278 = arith.index_cast %mul3A_277 : i32 to index
      %get3A_279 = tpu.vector_load %arg7[%get3A_278] {strides = array<i32>} : memref<16384xf32, #tpu.memory_space<vmem>>, vector<16xf32>,
      %get3A_280 = vector.shape_cast %get3A_279 : vector<16xf32> to vector<16xf32>
      %sub3A_281 = arith.subf %get3A_275, %get3A_280 : vector<16xf32>
      %mul3A_282 = arith.mulf %sub3A_281, %sub3A_281 : vector<16xf32>
      %ge3A_283 = arith.constant 3.000000e-01 : f32
      %ge3A_284 = vector.broadcast %ge3A_283 : f32 to vector<16xf32>
      %ge3A_285 = arith.cmpf oge, %get3A_280, %ge3A_284 : vector<16xf32>
      %jit3A_286 = arith.constant 1.000000e+00 : f32
      %jit3A_287 = arith.constant 0.000000e+00 : f32
      %broadcast_in_dim3A_288 = vector.broadcast %jit3A_286 : f32 to vector<16xf32>
      %broadcast_in_dim3A_289 = vector.broadcast %jit3A_287 : f32 to vector<16xf32>
      %select_n3A_290 = arith.select %ge3A_285, %broadcast_in_dim3A_288, %broadcast_in_dim3A_289 : vector<16xi1>, vector<16xf32>
      %lt3A_291 = arith.constant 1.000000e-01 : f32
      %lt3A_292 = vector.broadcast %lt3A_291 : f32 to vector<16xf32>
      %lt3A_293 = arith.cmpf olt, %get3A_280, %lt3A_292 : vector<16xf32>
      %jit3A_294 = arith.constant 1.000000e+00 : f32
      %jit3A_295 = arith.constant 0.000000e+00 : f32
      %broadcast_in_dim3A_296 = vector.broadcast %jit3A_294 : f32 to vector<16xf32>
      %broadcast_in_dim3A_297 = vector.broadcast %jit3A_295 : f32 to vector<16xf32>
      %select_n3A_298 = arith.select %lt3A_293, %broadcast_in_dim3A_296, %broadcast_in_dim3A_297 : vector<16xi1>, vector<16xf32>
      %add3A_299 = arith.addf %add3A_263, %select_n3A_290 : vector<16xf32>
      %add3A_300 = arith.addf %add3A_264, %select_n3A_298 : vector<16xf32>
      %mul3A_301 = arith.mulf %mul3A_282, %select_n3A_290 : vector<16xf32>
      %add3A_302 = arith.addf %add3A_266, %mul3A_301 : vector<16xf32>
      %mul3A_303 = arith.mulf %mul3A_282, %select_n3A_298 : vector<16xf32>
      %add3A_304 = arith.addf %add3A_268, %mul3A_303 : vector<16xf32>
      %scan3A_305 = arith.constant 4 : i32
      %scan3A_306 = arith.addi %scan3A_160, %scan3A_305 : i32
      %mul3A_307 = arith.constant 16 : i32
      %mul3A_308 = arith.muli %scan3A_306, %mul3A_307 : i32
      %get3A_309 = arith.index_cast %mul3A_308 : i32 to index
      %get3A_310 = tpu.vector_load %arg6[%get3A_309] {strides = array<i32>} : memref<16384xf32, #tpu.memory_space<vmem>>, vector<16xf32>,
      %get3A_311 = vector.shape_cast %get3A_310 : vector<16xf32> to vector<16xf32>
      %mul3A_312 = arith.constant 16 : i32
      %mul3A_313 = arith.muli %scan3A_306, %mul3A_312 : i32
      %get3A_314 = arith.index_cast %mul3A_313 : i32 to index
      %get3A_315 = tpu.vector_load %arg7[%get3A_314] {strides = array<i32>} : memref<16384xf32, #tpu.memory_space<vmem>>, vector<16xf32>,
      %get3A_316 = vector.shape_cast %get3A_315 : vector<16xf32> to vector<16xf32>
      %sub3A_317 = arith.subf %get3A_311, %get3A_316 : vector<16xf32>
      %mul3A_318 = arith.mulf %sub3A_317, %sub3A_317 : vector<16xf32>
      %ge3A_319 = arith.constant 3.000000e-01 : f32
      %ge3A_320 = vector.broadcast %ge3A_319 : f32 to vector<16xf32>
      %ge3A_321 = arith.cmpf oge, %get3A_316, %ge3A_320 : vector<16xf32>
      %jit3A_322 = arith.constant 1.000000e+00 : f32
      %jit3A_323 = arith.constant 0.000000e+00 : f32
      %broadcast_in_dim3A_324 = vector.broadcast %jit3A_322 : f32 to vector<16xf32>
      %broadcast_in_dim3A_325 = vector.broadcast %jit3A_323 : f32 to vector<16xf32>
      %select_n3A_326 = arith.select %ge3A_321, %broadcast_in_dim3A_324, %broadcast_in_dim3A_325 : vector<16xi1>, vector<16xf32>
      %lt3A_327 = arith.constant 1.000000e-01 : f32
      %lt3A_328 = vector.broadcast %lt3A_327 : f32 to vector<16xf32>
      %lt3A_329 = arith.cmpf olt, %get3A_316, %lt3A_328 : vector<16xf32>
      %jit3A_330 = arith.constant 1.000000e+00 : f32
      %jit3A_331 = arith.constant 0.000000e+00 : f32
      %broadcast_in_dim3A_332 = vector.broadcast %jit3A_330 : f32 to vector<16xf32>
      %broadcast_in_dim3A_333 = vector.broadcast %jit3A_331 : f32 to vector<16xf32>
      %select_n3A_334 = arith.select %lt3A_329, %broadcast_in_dim3A_332, %broadcast_in_dim3A_333 : vector<16xi1>, vector<16xf32>
      %add3A_335 = arith.addf %add3A_299, %select_n3A_326 : vector<16xf32>
      %add3A_336 = arith.addf %add3A_300, %select_n3A_334 : vector<16xf32>
      %mul3A_337 = arith.mulf %mul3A_318, %select_n3A_326 : vector<16xf32>
      %add3A_338 = arith.addf %add3A_302, %mul3A_337 : vector<16xf32>
      %mul3A_339 = arith.mulf %mul3A_318, %select_n3A_334 : vector<16xf32>
      %add3A_340 = arith.addf %add3A_304, %mul3A_339 : vector<16xf32>
      %scan3A_341 = arith.constant 5 : i32
      %scan3A_342 = arith.addi %scan3A_160, %scan3A_341 : i32
      %mul3A_343 = arith.constant 16 : i32
      %mul3A_344 = arith.muli %scan3A_342, %mul3A_343 : i32
      %get3A_345 = arith.index_cast %mul3A_344 : i32 to index
      %get3A_346 = tpu.vector_load %arg6[%get3A_345] {strides = array<i32>} : memref<16384xf32, #tpu.memory_space<vmem>>, vector<16xf32>,
      %get3A_347 = vector.shape_cast %get3A_346 : vector<16xf32> to vector<16xf32>
      %mul3A_348 = arith.constant 16 : i32
      %mul3A_349 = arith.muli %scan3A_342, %mul3A_348 : i32
      %get3A_350 = arith.index_cast %mul3A_349 : i32 to index
      %get3A_351 = tpu.vector_load %arg7[%get3A_350] {strides = array<i32>} : memref<16384xf32, #tpu.memory_space<vmem>>, vector<16xf32>,
      %get3A_352 = vector.shape_cast %get3A_351 : vector<16xf32> to vector<16xf32>
      %sub3A_353 = arith.subf %get3A_347, %get3A_352 : vector<16xf32>
      %mul3A_354 = arith.mulf %sub3A_353, %sub3A_353 : vector<16xf32>
      %ge3A_355 = arith.constant 3.000000e-01 : f32
      %ge3A_356 = vector.broadcast %ge3A_355 : f32 to vector<16xf32>
      %ge3A_357 = arith.cmpf oge, %get3A_352, %ge3A_356 : vector<16xf32>
      %jit3A_358 = arith.constant 1.000000e+00 : f32
      %jit3A_359 = arith.constant 0.000000e+00 : f32
      %broadcast_in_dim3A_360 = vector.broadcast %jit3A_358 : f32 to vector<16xf32>
      %broadcast_in_dim3A_361 = vector.broadcast %jit3A_359 : f32 to vector<16xf32>
      %select_n3A_362 = arith.select %ge3A_357, %broadcast_in_dim3A_360, %broadcast_in_dim3A_361 : vector<16xi1>, vector<16xf32>
      %lt3A_363 = arith.constant 1.000000e-01 : f32
      %lt3A_364 = vector.broadcast %lt3A_363 : f32 to vector<16xf32>
      %lt3A_365 = arith.cmpf olt, %get3A_352, %lt3A_364 : vector<16xf32>
      %jit3A_366 = arith.constant 1.000000e+00 : f32
      %jit3A_367 = arith.constant 0.000000e+00 : f32
      %broadcast_in_dim3A_368 = vector.broadcast %jit3A_366 : f32 to vector<16xf32>
      %broadcast_in_dim3A_369 = vector.broadcast %jit3A_367 : f32 to vector<16xf32>
      %select_n3A_370 = arith.select %lt3A_365, %broadcast_in_dim3A_368, %broadcast_in_dim3A_369 : vector<16xi1>, vector<16xf32>
      %add3A_371 = arith.addf %add3A_335, %select_n3A_362 : vector<16xf32>
      %add3A_372 = arith.addf %add3A_336, %select_n3A_370 : vector<16xf32>
      %mul3A_373 = arith.mulf %mul3A_354, %select_n3A_362 : vector<16xf32>
      %add3A_374 = arith.addf %add3A_338, %mul3A_373 : vector<16xf32>
      %mul3A_375 = arith.mulf %mul3A_354, %select_n3A_370 : vector<16xf32>
      %add3A_376 = arith.addf %add3A_340, %mul3A_375 : vector<16xf32>
      %scan3A_377 = arith.constant 6 : i32
      %scan3A_378 = arith.addi %scan3A_160, %scan3A_377 : i32
      %mul3A_379 = arith.constant 16 : i32
      %mul3A_380 = arith.muli %scan3A_378, %mul3A_379 : i32
      %get3A_381 = arith.index_cast %mul3A_380 : i32 to index
      %get3A_382 = tpu.vector_load %arg6[%get3A_381] {strides = array<i32>} : memref<16384xf32, #tpu.memory_space<vmem>>, vector<16xf32>,
      %get3A_383 = vector.shape_cast %get3A_382 : vector<16xf32> to vector<16xf32>
      %mul3A_384 = arith.constant 16 : i32
      %mul3A_385 = arith.muli %scan3A_378, %mul3A_384 : i32
      %get3A_386 = arith.index_cast %mul3A_385 : i32 to index
      %get3A_387 = tpu.vector_load %arg7[%get3A_386] {strides = array<i32>} : memref<16384xf32, #tpu.memory_space<vmem>>, vector<16xf32>,
      %get3A_388 = vector.shape_cast %get3A_387 : vector<16xf32> to vector<16xf32>
      %sub3A_389 = arith.subf %get3A_383, %get3A_388 : vector<16xf32>
      %mul3A_390 = arith.mulf %sub3A_389, %sub3A_389 : vector<16xf32>
      %ge3A_391 = arith.constant 3.000000e-01 : f32
      %ge3A_392 = vector.broadcast %ge3A_391 : f32 to vector<16xf32>
      %ge3A_393 = arith.cmpf oge, %get3A_388, %ge3A_392 : vector<16xf32>
      %jit3A_394 = arith.constant 1.000000e+00 : f32
      %jit3A_395 = arith.constant 0.000000e+00 : f32
      %broadcast_in_dim3A_396 = vector.broadcast %jit3A_394 : f32 to vector<16xf32>
      %broadcast_in_dim3A_397 = vector.broadcast %jit3A_395 : f32 to vector<16xf32>
      %select_n3A_398 = arith.select %ge3A_393, %broadcast_in_dim3A_396, %broadcast_in_dim3A_397 : vector<16xi1>, vector<16xf32>
      %lt3A_399 = arith.constant 1.000000e-01 : f32
      %lt3A_400 = vector.broadcast %lt3A_399 : f32 to vector<16xf32>
      %lt3A_401 = arith.cmpf olt, %get3A_388, %lt3A_400 : vector<16xf32>
      %jit3A_402 = arith.constant 1.000000e+00 : f32
      %jit3A_403 = arith.constant 0.000000e+00 : f32
      %broadcast_in_dim3A_404 = vector.broadcast %jit3A_402 : f32 to vector<16xf32>
      %broadcast_in_dim3A_405 = vector.broadcast %jit3A_403 : f32 to vector<16xf32>
      %select_n3A_406 = arith.select %lt3A_401, %broadcast_in_dim3A_404, %broadcast_in_dim3A_405 : vector<16xi1>, vector<16xf32>
      %add3A_407 = arith.addf %add3A_371, %select_n3A_398 : vector<16xf32>
      %add3A_408 = arith.addf %add3A_372, %select_n3A_406 : vector<16xf32>
      %mul3A_409 = arith.mulf %mul3A_390, %select_n3A_398 : vector<16xf32>
      %add3A_410 = arith.addf %add3A_374, %mul3A_409 : vector<16xf32>
      %mul3A_411 = arith.mulf %mul3A_390, %select_n3A_406 : vector<16xf32>
      %add3A_412 = arith.addf %add3A_376, %mul3A_411 : vector<16xf32>
      %scan3A_413 = arith.constant 7 : i32
      %scan3A_414 = arith.addi %scan3A_160, %scan3A_413 : i32
      %mul3A_415 = arith.constant 16 : i32
      %mul3A_416 = arith.muli %scan3A_414, %mul3A_415 : i32
      %get3A_417 = arith.index_cast %mul3A_416 : i32 to index
      %get3A_418 = tpu.vector_load %arg6[%get3A_417] {strides = array<i32>} : memref<16384xf32, #tpu.memory_space<vmem>>, vector<16xf32>,
      %get3A_419 = vector.shape_cast %get3A_418 : vector<16xf32> to vector<16xf32>
      %mul3A_420 = arith.constant 16 : i32
      %mul3A_421 = arith.muli %scan3A_414, %mul3A_420 : i32
      %get3A_422 = arith.index_cast %mul3A_421 : i32 to index
      %get3A_423 = tpu.vector_load %arg7[%get3A_422] {strides = array<i32>} : memref<16384xf32, #tpu.memory_space<vmem>>, vector<16xf32>,
      %get3A_424 = vector.shape_cast %get3A_423 : vector<16xf32> to vector<16xf32>
      %sub3A_425 = arith.subf %get3A_419, %get3A_424 : vector<16xf32>
      %mul3A_426 = arith.mulf %sub3A_425, %sub3A_425 : vector<16xf32>
      %ge3A_427 = arith.constant 3.000000e-01 : f32
      %ge3A_428 = vector.broadcast %ge3A_427 : f32 to vector<16xf32>
      %ge3A_429 = arith.cmpf oge, %get3A_424, %ge3A_428 : vector<16xf32>
      %jit3A_430 = arith.constant 1.000000e+00 : f32
      %jit3A_431 = arith.constant 0.000000e+00 : f32
      %broadcast_in_dim3A_432 = vector.broadcast %jit3A_430 : f32 to vector<16xf32>
      %broadcast_in_dim3A_433 = vector.broadcast %jit3A_431 : f32 to vector<16xf32>
      %select_n3A_434 = arith.select %ge3A_429, %broadcast_in_dim3A_432, %broadcast_in_dim3A_433 : vector<16xi1>, vector<16xf32>
      %lt3A_435 = arith.constant 1.000000e-01 : f32
      %lt3A_436 = vector.broadcast %lt3A_435 : f32 to vector<16xf32>
      %lt3A_437 = arith.cmpf olt, %get3A_424, %lt3A_436 : vector<16xf32>
      %jit3A_438 = arith.constant 1.000000e+00 : f32
      %jit3A_439 = arith.constant 0.000000e+00 : f32
      %broadcast_in_dim3A_440 = vector.broadcast %jit3A_438 : f32 to vector<16xf32>
      %broadcast_in_dim3A_441 = vector.broadcast %jit3A_439 : f32 to vector<16xf32>
      %select_n3A_442 = arith.select %lt3A_437, %broadcast_in_dim3A_440, %broadcast_in_dim3A_441 : vector<16xi1>, vector<16xf32>
      %add3A_443 = arith.addf %add3A_407, %select_n3A_434 : vector<16xf32>
      %add3A_444 = arith.addf %add3A_408, %select_n3A_442 : vector<16xf32>
      %mul3A_445 = arith.mulf %mul3A_426, %select_n3A_434 : vector<16xf32>
      %add3A_446 = arith.addf %add3A_410, %mul3A_445 : vector<16xf32>
      %mul3A_447 = arith.mulf %mul3A_426, %select_n3A_442 : vector<16xf32>
      %add3A_448 = arith.addf %add3A_412, %mul3A_447 : vector<16xf32>
      scf.yield %add3A_443, %add3A_444, %add3A_446, %add3A_448 : vector<16xf32>, vector<16xf32>, vector<16xf32>, vector<16xf32>
    }
    %scan3A_120 = arith.constant 1024 : i32
    %dma_wait3A_121 = arith.constant 0 : i32
    %dma_wait3A_122 = tpu.memref_slice %arg2[%dma_wait3A_121] : memref<1048576xf32, #tpu.memory_space<hbm>> -> memref<16384xf32, #tpu.memory_space<hbm>>
    %dma_wait3A_123 = arith.constant 0 : i32
    %dma_wait3A_124 = tpu.memref_slice %arg2[%dma_wait3A_123] : memref<1048576xf32, #tpu.memory_space<hbm>> -> memref<16384xf32, #tpu.memory_space<hbm>>
    tpu.wait_dma2 semaphore(%arg12 : memref<!tpu.dma_semaphore, #tpu.memory_space<semaphore_mem>>) src(%dma_wait3A_124 : memref<16384xf32, #tpu.memory_space<hbm>>) dst(%arg8 : memref<16384xf32, #tpu.memory_space<vmem>>)
    %dma_wait3A_125 = arith.constant 0 : i32
    %dma_wait3A_126 = tpu.memref_slice %arg3[%dma_wait3A_125] : memref<524288xf32, #tpu.memory_space<hbm>> -> memref<16384xf32, #tpu.memory_space<hbm>>
    %dma_wait3A_127 = arith.constant 0 : i32
    %dma_wait3A_128 = tpu.memref_slice %arg3[%dma_wait3A_127] : memref<524288xf32, #tpu.memory_space<hbm>> -> memref<16384xf32, #tpu.memory_space<hbm>>
    tpu.wait_dma2 semaphore(%arg12 : memref<!tpu.dma_semaphore, #tpu.memory_space<semaphore_mem>>) src(%dma_wait3A_128 : memref<16384xf32, #tpu.memory_space<hbm>>) dst(%arg9 : memref<16384xf32, #tpu.memory_space<vmem>>)
    %add3A_129 = arith.constant 1 : i32
    %add3A_130 = arith.addi %scan3A, %add3A_129 : i32
    %lt3A_131 = arith.constant 1 : i32
    %lt3A_132 = arith.cmpi slt, %add3A_130, %lt3A_131 : i32
    %convert_element_type3A_133 = arith.extui %lt3A_132 : i1 to i32
    %cond3A_134 = arith.constant 0 : i32
    %cond3A_135 = arith.cmpi ne, %convert_element_type3A_133, %cond3A_134 : i32
    scf.if %cond3A_135 {
      %mul3A_160 = arith.constant 2 : i32
      %mul3A_161 = arith.muli %mul3A_160, %scan3A : i32
      %add3A_162 = arith.constant 2 : i32
      %add3A_163 = arith.addi %mul3A_161, %add3A_162 : i32
      %mul3A_164 = arith.constant 16384 : i32
      %mul3A_165 = arith.muli %add3A_163, %mul3A_164 : i32
      %add3A_166 = arith.addi %mul3A_34, %mul3A_165 : i32
      %dma_start3A_167 = tpu.memref_slice %arg2[%add3A_166] : memref<1048576xf32, #tpu.memory_space<hbm>> -> memref<16384xf32, #tpu.memory_space<hbm>>
      %dma_start3A_168 = tpu.memref_slice %arg2[%add3A_166] : memref<1048576xf32, #tpu.memory_space<hbm>> -> memref<16384xf32, #tpu.memory_space<hbm>>
      tpu.enqueue_dma source(%dma_start3A_168 : memref<16384xf32, #tpu.memory_space<hbm>>) target(%arg6 : memref<16384xf32, #tpu.memory_space<vmem>>) target_semaphore(%arg11 : memref<!tpu.dma_semaphore, #tpu.memory_space<semaphore_mem>>)
      %convert_element_type3A_169 = arith.extui %eq3A_32 : i1 to i32
      %cond3A_170 = arith.constant 0 : i32
      %cond3A_171 = arith.cmpi ne, %convert_element_type3A_169, %cond3A_170 : i32
      scf.if %cond3A_171 {
        %add3A_177 = arith.addi %add3A_81, %mul3A_165 : i32
        %dma_start3A_178 = tpu.memref_slice %arg3[%add3A_177] : memref<524288xf32, #tpu.memory_space<hbm>> -> memref<16384xf32, #tpu.memory_space<hbm>>
        %dma_start3A_179 = tpu.memref_slice %arg3[%add3A_177] : memref<524288xf32, #tpu.memory_space<hbm>> -> memref<16384xf32, #tpu.memory_space<hbm>>
        tpu.enqueue_dma source(%dma_start3A_179 : memref<16384xf32, #tpu.memory_space<hbm>>) target(%arg7 : memref<16384xf32, #tpu.memory_space<vmem>>) target_semaphore(%arg11 : memref<!tpu.dma_semaphore, #tpu.memory_space<semaphore_mem>>)
      } else {
      }
      %not3A_172 = arith.constant true
      %not3A_173 = arith.xori %eq3A_32, %not3A_172 : i1
      %convert_element_type3A_174 = arith.extui %not3A_173 : i1 to i32
      %cond3A_175 = arith.constant 0 : i32
      %cond3A_176 = arith.cmpi ne, %convert_element_type3A_174, %cond3A_175 : i32
      scf.if %cond3A_176 {
        %add3A_177 = arith.addi %add3A_81, %mul3A_165 : i32
        %dma_start3A_178 = tpu.memref_slice %arg4[%add3A_177] : memref<524288xf32, #tpu.memory_space<hbm>> -> memref<16384xf32, #tpu.memory_space<hbm>>
        %dma_start3A_179 = tpu.memref_slice %arg4[%add3A_177] : memref<524288xf32, #tpu.memory_space<hbm>> -> memref<16384xf32, #tpu.memory_space<hbm>>
        tpu.enqueue_dma source(%dma_start3A_179 : memref<16384xf32, #tpu.memory_space<hbm>>) target(%arg7 : memref<16384xf32, #tpu.memory_space<vmem>>) target_semaphore(%arg11 : memref<!tpu.dma_semaphore, #tpu.memory_space<semaphore_mem>>)
      } else {
      }
    } else {
    }
    %scan3A_136 = arith.constant 0 : i32
    %scan3A_137 = arith.constant 1024 : i32
    %scan3A_138 = arith.addi %scan3A_136, %scan3A_137 : i32
    %scan3A_139 = arith.constant 8 : i32
    %scan3A_140:4 = scf.for %scan3A_160 = %scan3A_136 to %scan3A_138 step %scan3A_139 iter_args(%scan3A_161 = %scan3A_119#0, %scan3A_162 = %scan3A_119#1, %scan3A_163 = %scan3A_119#2, %scan3A_164 = %scan3A_119#3) -> (vector<16xf32>, vector<16xf32>, vector<16xf32>, vector<16xf32>)  : i32 {
      %mul3A_165 = arith.constant 16 : i32
      %mul3A_166 = arith.muli %scan3A_160, %mul3A_165 : i32
      %get3A = arith.index_cast %mul3A_166 : i32 to index
      %get3A_167 = tpu.vector_load %arg8[%get3A] {strides = array<i32>} : memref<16384xf32, #tpu.memory_space<vmem>>, vector<16xf32>,
      %get3A_168 = vector.shape_cast %get3A_167 : vector<16xf32> to vector<16xf32>
      %mul3A_169 = arith.constant 16 : i32
      %mul3A_170 = arith.muli %scan3A_160, %mul3A_169 : i32
      %get3A_171 = arith.index_cast %mul3A_170 : i32 to index
      %get3A_172 = tpu.vector_load %arg9[%get3A_171] {strides = array<i32>} : memref<16384xf32, #tpu.memory_space<vmem>>, vector<16xf32>,
      %get3A_173 = vector.shape_cast %get3A_172 : vector<16xf32> to vector<16xf32>
      %sub3A_174 = arith.subf %get3A_168, %get3A_173 : vector<16xf32>
      %mul3A_175 = arith.mulf %sub3A_174, %sub3A_174 : vector<16xf32>
      %ge3A = arith.constant 3.000000e-01 : f32
      %ge3A_176 = vector.broadcast %ge3A : f32 to vector<16xf32>
      %ge3A_177 = arith.cmpf oge, %get3A_173, %ge3A_176 : vector<16xf32>
      %jit3A_178 = arith.constant 1.000000e+00 : f32
      %jit3A_179 = arith.constant 0.000000e+00 : f32
      %broadcast_in_dim3A_180 = vector.broadcast %jit3A_178 : f32 to vector<16xf32>
      %broadcast_in_dim3A_181 = vector.broadcast %jit3A_179 : f32 to vector<16xf32>
      %select_n3A_182 = arith.select %ge3A_177, %broadcast_in_dim3A_180, %broadcast_in_dim3A_181 : vector<16xi1>, vector<16xf32>
      %lt3A_183 = arith.constant 1.000000e-01 : f32
      %lt3A_184 = vector.broadcast %lt3A_183 : f32 to vector<16xf32>
      %lt3A_185 = arith.cmpf olt, %get3A_173, %lt3A_184 : vector<16xf32>
      %jit3A_186 = arith.constant 1.000000e+00 : f32
      %jit3A_187 = arith.constant 0.000000e+00 : f32
      %broadcast_in_dim3A_188 = vector.broadcast %jit3A_186 : f32 to vector<16xf32>
      %broadcast_in_dim3A_189 = vector.broadcast %jit3A_187 : f32 to vector<16xf32>
      %select_n3A_190 = arith.select %lt3A_185, %broadcast_in_dim3A_188, %broadcast_in_dim3A_189 : vector<16xi1>, vector<16xf32>
      %add3A_191 = arith.addf %scan3A_161, %select_n3A_182 : vector<16xf32>
      %add3A_192 = arith.addf %scan3A_162, %select_n3A_190 : vector<16xf32>
      %mul3A_193 = arith.mulf %mul3A_175, %select_n3A_182 : vector<16xf32>
      %add3A_194 = arith.addf %scan3A_163, %mul3A_193 : vector<16xf32>
      %mul3A_195 = arith.mulf %mul3A_175, %select_n3A_190 : vector<16xf32>
      %add3A_196 = arith.addf %scan3A_164, %mul3A_195 : vector<16xf32>
      %scan3A_197 = arith.constant 1 : i32
      %scan3A_198 = arith.addi %scan3A_160, %scan3A_197 : i32
      %mul3A_199 = arith.constant 16 : i32
      %mul3A_200 = arith.muli %scan3A_198, %mul3A_199 : i32
      %get3A_201 = arith.index_cast %mul3A_200 : i32 to index
      %get3A_202 = tpu.vector_load %arg8[%get3A_201] {strides = array<i32>} : memref<16384xf32, #tpu.memory_space<vmem>>, vector<16xf32>,
      %get3A_203 = vector.shape_cast %get3A_202 : vector<16xf32> to vector<16xf32>
      %mul3A_204 = arith.constant 16 : i32
      %mul3A_205 = arith.muli %scan3A_198, %mul3A_204 : i32
      %get3A_206 = arith.index_cast %mul3A_205 : i32 to index
      %get3A_207 = tpu.vector_load %arg9[%get3A_206] {strides = array<i32>} : memref<16384xf32, #tpu.memory_space<vmem>>, vector<16xf32>,
      %get3A_208 = vector.shape_cast %get3A_207 : vector<16xf32> to vector<16xf32>
      %sub3A_209 = arith.subf %get3A_203, %get3A_208 : vector<16xf32>
      %mul3A_210 = arith.mulf %sub3A_209, %sub3A_209 : vector<16xf32>
      %ge3A_211 = arith.constant 3.000000e-01 : f32
      %ge3A_212 = vector.broadcast %ge3A_211 : f32 to vector<16xf32>
      %ge3A_213 = arith.cmpf oge, %get3A_208, %ge3A_212 : vector<16xf32>
      %jit3A_214 = arith.constant 1.000000e+00 : f32
      %jit3A_215 = arith.constant 0.000000e+00 : f32
      %broadcast_in_dim3A_216 = vector.broadcast %jit3A_214 : f32 to vector<16xf32>
      %broadcast_in_dim3A_217 = vector.broadcast %jit3A_215 : f32 to vector<16xf32>
      %select_n3A_218 = arith.select %ge3A_213, %broadcast_in_dim3A_216, %broadcast_in_dim3A_217 : vector<16xi1>, vector<16xf32>
      %lt3A_219 = arith.constant 1.000000e-01 : f32
      %lt3A_220 = vector.broadcast %lt3A_219 : f32 to vector<16xf32>
      %lt3A_221 = arith.cmpf olt, %get3A_208, %lt3A_220 : vector<16xf32>
      %jit3A_222 = arith.constant 1.000000e+00 : f32
      %jit3A_223 = arith.constant 0.000000e+00 : f32
      %broadcast_in_dim3A_224 = vector.broadcast %jit3A_222 : f32 to vector<16xf32>
      %broadcast_in_dim3A_225 = vector.broadcast %jit3A_223 : f32 to vector<16xf32>
      %select_n3A_226 = arith.select %lt3A_221, %broadcast_in_dim3A_224, %broadcast_in_dim3A_225 : vector<16xi1>, vector<16xf32>
      %add3A_227 = arith.addf %add3A_191, %select_n3A_218 : vector<16xf32>
      %add3A_228 = arith.addf %add3A_192, %select_n3A_226 : vector<16xf32>
      %mul3A_229 = arith.mulf %mul3A_210, %select_n3A_218 : vector<16xf32>
      %add3A_230 = arith.addf %add3A_194, %mul3A_229 : vector<16xf32>
      %mul3A_231 = arith.mulf %mul3A_210, %select_n3A_226 : vector<16xf32>
      %add3A_232 = arith.addf %add3A_196, %mul3A_231 : vector<16xf32>
      %scan3A_233 = arith.constant 2 : i32
      %scan3A_234 = arith.addi %scan3A_160, %scan3A_233 : i32
      %mul3A_235 = arith.constant 16 : i32
      %mul3A_236 = arith.muli %scan3A_234, %mul3A_235 : i32
      %get3A_237 = arith.index_cast %mul3A_236 : i32 to index
      %get3A_238 = tpu.vector_load %arg8[%get3A_237] {strides = array<i32>} : memref<16384xf32, #tpu.memory_space<vmem>>, vector<16xf32>,
      %get3A_239 = vector.shape_cast %get3A_238 : vector<16xf32> to vector<16xf32>
      %mul3A_240 = arith.constant 16 : i32
      %mul3A_241 = arith.muli %scan3A_234, %mul3A_240 : i32
      %get3A_242 = arith.index_cast %mul3A_241 : i32 to index
      %get3A_243 = tpu.vector_load %arg9[%get3A_242] {strides = array<i32>} : memref<16384xf32, #tpu.memory_space<vmem>>, vector<16xf32>,
      %get3A_244 = vector.shape_cast %get3A_243 : vector<16xf32> to vector<16xf32>
      %sub3A_245 = arith.subf %get3A_239, %get3A_244 : vector<16xf32>
      %mul3A_246 = arith.mulf %sub3A_245, %sub3A_245 : vector<16xf32>
      %ge3A_247 = arith.constant 3.000000e-01 : f32
      %ge3A_248 = vector.broadcast %ge3A_247 : f32 to vector<16xf32>
      %ge3A_249 = arith.cmpf oge, %get3A_244, %ge3A_248 : vector<16xf32>
      %jit3A_250 = arith.constant 1.000000e+00 : f32
      %jit3A_251 = arith.constant 0.000000e+00 : f32
      %broadcast_in_dim3A_252 = vector.broadcast %jit3A_250 : f32 to vector<16xf32>
      %broadcast_in_dim3A_253 = vector.broadcast %jit3A_251 : f32 to vector<16xf32>
      %select_n3A_254 = arith.select %ge3A_249, %broadcast_in_dim3A_252, %broadcast_in_dim3A_253 : vector<16xi1>, vector<16xf32>
      %lt3A_255 = arith.constant 1.000000e-01 : f32
      %lt3A_256 = vector.broadcast %lt3A_255 : f32 to vector<16xf32>
      %lt3A_257 = arith.cmpf olt, %get3A_244, %lt3A_256 : vector<16xf32>
      %jit3A_258 = arith.constant 1.000000e+00 : f32
      %jit3A_259 = arith.constant 0.000000e+00 : f32
      %broadcast_in_dim3A_260 = vector.broadcast %jit3A_258 : f32 to vector<16xf32>
      %broadcast_in_dim3A_261 = vector.broadcast %jit3A_259 : f32 to vector<16xf32>
      %select_n3A_262 = arith.select %lt3A_257, %broadcast_in_dim3A_260, %broadcast_in_dim3A_261 : vector<16xi1>, vector<16xf32>
      %add3A_263 = arith.addf %add3A_227, %select_n3A_254 : vector<16xf32>
      %add3A_264 = arith.addf %add3A_228, %select_n3A_262 : vector<16xf32>
      %mul3A_265 = arith.mulf %mul3A_246, %select_n3A_254 : vector<16xf32>
      %add3A_266 = arith.addf %add3A_230, %mul3A_265 : vector<16xf32>
      %mul3A_267 = arith.mulf %mul3A_246, %select_n3A_262 : vector<16xf32>
      %add3A_268 = arith.addf %add3A_232, %mul3A_267 : vector<16xf32>
      %scan3A_269 = arith.constant 3 : i32
      %scan3A_270 = arith.addi %scan3A_160, %scan3A_269 : i32
      %mul3A_271 = arith.constant 16 : i32
      %mul3A_272 = arith.muli %scan3A_270, %mul3A_271 : i32
      %get3A_273 = arith.index_cast %mul3A_272 : i32 to index
      %get3A_274 = tpu.vector_load %arg8[%get3A_273] {strides = array<i32>} : memref<16384xf32, #tpu.memory_space<vmem>>, vector<16xf32>,
      %get3A_275 = vector.shape_cast %get3A_274 : vector<16xf32> to vector<16xf32>
      %mul3A_276 = arith.constant 16 : i32
      %mul3A_277 = arith.muli %scan3A_270, %mul3A_276 : i32
      %get3A_278 = arith.index_cast %mul3A_277 : i32 to index
      %get3A_279 = tpu.vector_load %arg9[%get3A_278] {strides = array<i32>} : memref<16384xf32, #tpu.memory_space<vmem>>, vector<16xf32>,
      %get3A_280 = vector.shape_cast %get3A_279 : vector<16xf32> to vector<16xf32>
      %sub3A_281 = arith.subf %get3A_275, %get3A_280 : vector<16xf32>
      %mul3A_282 = arith.mulf %sub3A_281, %sub3A_281 : vector<16xf32>
      %ge3A_283 = arith.constant 3.000000e-01 : f32
      %ge3A_284 = vector.broadcast %ge3A_283 : f32 to vector<16xf32>
      %ge3A_285 = arith.cmpf oge, %get3A_280, %ge3A_284 : vector<16xf32>
      %jit3A_286 = arith.constant 1.000000e+00 : f32
      %jit3A_287 = arith.constant 0.000000e+00 : f32
      %broadcast_in_dim3A_288 = vector.broadcast %jit3A_286 : f32 to vector<16xf32>
      %broadcast_in_dim3A_289 = vector.broadcast %jit3A_287 : f32 to vector<16xf32>
      %select_n3A_290 = arith.select %ge3A_285, %broadcast_in_dim3A_288, %broadcast_in_dim3A_289 : vector<16xi1>, vector<16xf32>
      %lt3A_291 = arith.constant 1.000000e-01 : f32
      %lt3A_292 = vector.broadcast %lt3A_291 : f32 to vector<16xf32>
      %lt3A_293 = arith.cmpf olt, %get3A_280, %lt3A_292 : vector<16xf32>
      %jit3A_294 = arith.constant 1.000000e+00 : f32
      %jit3A_295 = arith.constant 0.000000e+00 : f32
      %broadcast_in_dim3A_296 = vector.broadcast %jit3A_294 : f32 to vector<16xf32>
      %broadcast_in_dim3A_297 = vector.broadcast %jit3A_295 : f32 to vector<16xf32>
      %select_n3A_298 = arith.select %lt3A_293, %broadcast_in_dim3A_296, %broadcast_in_dim3A_297 : vector<16xi1>, vector<16xf32>
      %add3A_299 = arith.addf %add3A_263, %select_n3A_290 : vector<16xf32>
      %add3A_300 = arith.addf %add3A_264, %select_n3A_298 : vector<16xf32>
      %mul3A_301 = arith.mulf %mul3A_282, %select_n3A_290 : vector<16xf32>
      %add3A_302 = arith.addf %add3A_266, %mul3A_301 : vector<16xf32>
      %mul3A_303 = arith.mulf %mul3A_282, %select_n3A_298 : vector<16xf32>
      %add3A_304 = arith.addf %add3A_268, %mul3A_303 : vector<16xf32>
      %scan3A_305 = arith.constant 4 : i32
      %scan3A_306 = arith.addi %scan3A_160, %scan3A_305 : i32
      %mul3A_307 = arith.constant 16 : i32
      %mul3A_308 = arith.muli %scan3A_306, %mul3A_307 : i32
      %get3A_309 = arith.index_cast %mul3A_308 : i32 to index
      %get3A_310 = tpu.vector_load %arg8[%get3A_309] {strides = array<i32>} : memref<16384xf32, #tpu.memory_space<vmem>>, vector<16xf32>,
      %get3A_311 = vector.shape_cast %get3A_310 : vector<16xf32> to vector<16xf32>
      %mul3A_312 = arith.constant 16 : i32
      %mul3A_313 = arith.muli %scan3A_306, %mul3A_312 : i32
      %get3A_314 = arith.index_cast %mul3A_313 : i32 to index
      %get3A_315 = tpu.vector_load %arg9[%get3A_314] {strides = array<i32>} : memref<16384xf32, #tpu.memory_space<vmem>>, vector<16xf32>,
      %get3A_316 = vector.shape_cast %get3A_315 : vector<16xf32> to vector<16xf32>
      %sub3A_317 = arith.subf %get3A_311, %get3A_316 : vector<16xf32>
      %mul3A_318 = arith.mulf %sub3A_317, %sub3A_317 : vector<16xf32>
      %ge3A_319 = arith.constant 3.000000e-01 : f32
      %ge3A_320 = vector.broadcast %ge3A_319 : f32 to vector<16xf32>
      %ge3A_321 = arith.cmpf oge, %get3A_316, %ge3A_320 : vector<16xf32>
      %jit3A_322 = arith.constant 1.000000e+00 : f32
      %jit3A_323 = arith.constant 0.000000e+00 : f32
      %broadcast_in_dim3A_324 = vector.broadcast %jit3A_322 : f32 to vector<16xf32>
      %broadcast_in_dim3A_325 = vector.broadcast %jit3A_323 : f32 to vector<16xf32>
      %select_n3A_326 = arith.select %ge3A_321, %broadcast_in_dim3A_324, %broadcast_in_dim3A_325 : vector<16xi1>, vector<16xf32>
      %lt3A_327 = arith.constant 1.000000e-01 : f32
      %lt3A_328 = vector.broadcast %lt3A_327 : f32 to vector<16xf32>
      %lt3A_329 = arith.cmpf olt, %get3A_316, %lt3A_328 : vector<16xf32>
      %jit3A_330 = arith.constant 1.000000e+00 : f32
      %jit3A_331 = arith.constant 0.000000e+00 : f32
      %broadcast_in_dim3A_332 = vector.broadcast %jit3A_330 : f32 to vector<16xf32>
      %broadcast_in_dim3A_333 = vector.broadcast %jit3A_331 : f32 to vector<16xf32>
      %select_n3A_334 = arith.select %lt3A_329, %broadcast_in_dim3A_332, %broadcast_in_dim3A_333 : vector<16xi1>, vector<16xf32>
      %add3A_335 = arith.addf %add3A_299, %select_n3A_326 : vector<16xf32>
      %add3A_336 = arith.addf %add3A_300, %select_n3A_334 : vector<16xf32>
      %mul3A_337 = arith.mulf %mul3A_318, %select_n3A_326 : vector<16xf32>
      %add3A_338 = arith.addf %add3A_302, %mul3A_337 : vector<16xf32>
      %mul3A_339 = arith.mulf %mul3A_318, %select_n3A_334 : vector<16xf32>
      %add3A_340 = arith.addf %add3A_304, %mul3A_339 : vector<16xf32>
      %scan3A_341 = arith.constant 5 : i32
      %scan3A_342 = arith.addi %scan3A_160, %scan3A_341 : i32
      %mul3A_343 = arith.constant 16 : i32
      %mul3A_344 = arith.muli %scan3A_342, %mul3A_343 : i32
      %get3A_345 = arith.index_cast %mul3A_344 : i32 to index
      %get3A_346 = tpu.vector_load %arg8[%get3A_345] {strides = array<i32>} : memref<16384xf32, #tpu.memory_space<vmem>>, vector<16xf32>,
      %get3A_347 = vector.shape_cast %get3A_346 : vector<16xf32> to vector<16xf32>
      %mul3A_348 = arith.constant 16 : i32
      %mul3A_349 = arith.muli %scan3A_342, %mul3A_348 : i32
      %get3A_350 = arith.index_cast %mul3A_349 : i32 to index
      %get3A_351 = tpu.vector_load %arg9[%get3A_350] {strides = array<i32>} : memref<16384xf32, #tpu.memory_space<vmem>>, vector<16xf32>,
      %get3A_352 = vector.shape_cast %get3A_351 : vector<16xf32> to vector<16xf32>
      %sub3A_353 = arith.subf %get3A_347, %get3A_352 : vector<16xf32>
      %mul3A_354 = arith.mulf %sub3A_353, %sub3A_353 : vector<16xf32>
      %ge3A_355 = arith.constant 3.000000e-01 : f32
      %ge3A_356 = vector.broadcast %ge3A_355 : f32 to vector<16xf32>
      %ge3A_357 = arith.cmpf oge, %get3A_352, %ge3A_356 : vector<16xf32>
      %jit3A_358 = arith.constant 1.000000e+00 : f32
      %jit3A_359 = arith.constant 0.000000e+00 : f32
      %broadcast_in_dim3A_360 = vector.broadcast %jit3A_358 : f32 to vector<16xf32>
      %broadcast_in_dim3A_361 = vector.broadcast %jit3A_359 : f32 to vector<16xf32>
      %select_n3A_362 = arith.select %ge3A_357, %broadcast_in_dim3A_360, %broadcast_in_dim3A_361 : vector<16xi1>, vector<16xf32>
      %lt3A_363 = arith.constant 1.000000e-01 : f32
      %lt3A_364 = vector.broadcast %lt3A_363 : f32 to vector<16xf32>
      %lt3A_365 = arith.cmpf olt, %get3A_352, %lt3A_364 : vector<16xf32>
      %jit3A_366 = arith.constant 1.000000e+00 : f32
      %jit3A_367 = arith.constant 0.000000e+00 : f32
      %broadcast_in_dim3A_368 = vector.broadcast %jit3A_366 : f32 to vector<16xf32>
      %broadcast_in_dim3A_369 = vector.broadcast %jit3A_367 : f32 to vector<16xf32>
      %select_n3A_370 = arith.select %lt3A_365, %broadcast_in_dim3A_368, %broadcast_in_dim3A_369 : vector<16xi1>, vector<16xf32>
      %add3A_371 = arith.addf %add3A_335, %select_n3A_362 : vector<16xf32>
      %add3A_372 = arith.addf %add3A_336, %select_n3A_370 : vector<16xf32>
      %mul3A_373 = arith.mulf %mul3A_354, %select_n3A_362 : vector<16xf32>
      %add3A_374 = arith.addf %add3A_338, %mul3A_373 : vector<16xf32>
      %mul3A_375 = arith.mulf %mul3A_354, %select_n3A_370 : vector<16xf32>
      %add3A_376 = arith.addf %add3A_340, %mul3A_375 : vector<16xf32>
      %scan3A_377 = arith.constant 6 : i32
      %scan3A_378 = arith.addi %scan3A_160, %scan3A_377 : i32
      %mul3A_379 = arith.constant 16 : i32
      %mul3A_380 = arith.muli %scan3A_378, %mul3A_379 : i32
      %get3A_381 = arith.index_cast %mul3A_380 : i32 to index
      %get3A_382 = tpu.vector_load %arg8[%get3A_381] {strides = array<i32>} : memref<16384xf32, #tpu.memory_space<vmem>>, vector<16xf32>,
      %get3A_383 = vector.shape_cast %get3A_382 : vector<16xf32> to vector<16xf32>
      %mul3A_384 = arith.constant 16 : i32
      %mul3A_385 = arith.muli %scan3A_378, %mul3A_384 : i32
      %get3A_386 = arith.index_cast %mul3A_385 : i32 to index
      %get3A_387 = tpu.vector_load %arg9[%get3A_386] {strides = array<i32>} : memref<16384xf32, #tpu.memory_space<vmem>>, vector<16xf32>,
      %get3A_388 = vector.shape_cast %get3A_387 : vector<16xf32> to vector<16xf32>
      %sub3A_389 = arith.subf %get3A_383, %get3A_388 : vector<16xf32>
      %mul3A_390 = arith.mulf %sub3A_389, %sub3A_389 : vector<16xf32>
      %ge3A_391 = arith.constant 3.000000e-01 : f32
      %ge3A_392 = vector.broadcast %ge3A_391 : f32 to vector<16xf32>
      %ge3A_393 = arith.cmpf oge, %get3A_388, %ge3A_392 : vector<16xf32>
      %jit3A_394 = arith.constant 1.000000e+00 : f32
      %jit3A_395 = arith.constant 0.000000e+00 : f32
      %broadcast_in_dim3A_396 = vector.broadcast %jit3A_394 : f32 to vector<16xf32>
      %broadcast_in_dim3A_397 = vector.broadcast %jit3A_395 : f32 to vector<16xf32>
      %select_n3A_398 = arith.select %ge3A_393, %broadcast_in_dim3A_396, %broadcast_in_dim3A_397 : vector<16xi1>, vector<16xf32>
      %lt3A_399 = arith.constant 1.000000e-01 : f32
      %lt3A_400 = vector.broadcast %lt3A_399 : f32 to vector<16xf32>
      %lt3A_401 = arith.cmpf olt, %get3A_388, %lt3A_400 : vector<16xf32>
      %jit3A_402 = arith.constant 1.000000e+00 : f32
      %jit3A_403 = arith.constant 0.000000e+00 : f32
      %broadcast_in_dim3A_404 = vector.broadcast %jit3A_402 : f32 to vector<16xf32>
      %broadcast_in_dim3A_405 = vector.broadcast %jit3A_403 : f32 to vector<16xf32>
      %select_n3A_406 = arith.select %lt3A_401, %broadcast_in_dim3A_404, %broadcast_in_dim3A_405 : vector<16xi1>, vector<16xf32>
      %add3A_407 = arith.addf %add3A_371, %select_n3A_398 : vector<16xf32>
      %add3A_408 = arith.addf %add3A_372, %select_n3A_406 : vector<16xf32>
      %mul3A_409 = arith.mulf %mul3A_390, %select_n3A_398 : vector<16xf32>
      %add3A_410 = arith.addf %add3A_374, %mul3A_409 : vector<16xf32>
      %mul3A_411 = arith.mulf %mul3A_390, %select_n3A_406 : vector<16xf32>
      %add3A_412 = arith.addf %add3A_376, %mul3A_411 : vector<16xf32>
      %scan3A_413 = arith.constant 7 : i32
      %scan3A_414 = arith.addi %scan3A_160, %scan3A_413 : i32
      %mul3A_415 = arith.constant 16 : i32
      %mul3A_416 = arith.muli %scan3A_414, %mul3A_415 : i32
      %get3A_417 = arith.index_cast %mul3A_416 : i32 to index
      %get3A_418 = tpu.vector_load %arg8[%get3A_417] {strides = array<i32>} : memref<16384xf32, #tpu.memory_space<vmem>>, vector<16xf32>,
      %get3A_419 = vector.shape_cast %get3A_418 : vector<16xf32> to vector<16xf32>
      %mul3A_420 = arith.constant 16 : i32
      %mul3A_421 = arith.muli %scan3A_414, %mul3A_420 : i32
      %get3A_422 = arith.index_cast %mul3A_421 : i32 to index
      %get3A_423 = tpu.vector_load %arg9[%get3A_422] {strides = array<i32>} : memref<16384xf32, #tpu.memory_space<vmem>>, vector<16xf32>,
      %get3A_424 = vector.shape_cast %get3A_423 : vector<16xf32> to vector<16xf32>
      %sub3A_425 = arith.subf %get3A_419, %get3A_424 : vector<16xf32>
      %mul3A_426 = arith.mulf %sub3A_425, %sub3A_425 : vector<16xf32>
      %ge3A_427 = arith.constant 3.000000e-01 : f32
      %ge3A_428 = vector.broadcast %ge3A_427 : f32 to vector<16xf32>
      %ge3A_429 = arith.cmpf oge, %get3A_424, %ge3A_428 : vector<16xf32>
      %jit3A_430 = arith.constant 1.000000e+00 : f32
      %jit3A_431 = arith.constant 0.000000e+00 : f32
      %broadcast_in_dim3A_432 = vector.broadcast %jit3A_430 : f32 to vector<16xf32>
      %broadcast_in_dim3A_433 = vector.broadcast %jit3A_431 : f32 to vector<16xf32>
      %select_n3A_434 = arith.select %ge3A_429, %broadcast_in_dim3A_432, %broadcast_in_dim3A_433 : vector<16xi1>, vector<16xf32>
      %lt3A_435 = arith.constant 1.000000e-01 : f32
      %lt3A_436 = vector.broadcast %lt3A_435 : f32 to vector<16xf32>
      %lt3A_437 = arith.cmpf olt, %get3A_424, %lt3A_436 : vector<16xf32>
      %jit3A_438 = arith.constant 1.000000e+00 : f32
      %jit3A_439 = arith.constant 0.000000e+00 : f32
      %broadcast_in_dim3A_440 = vector.broadcast %jit3A_438 : f32 to vector<16xf32>
      %broadcast_in_dim3A_441 = vector.broadcast %jit3A_439 : f32 to vector<16xf32>
      %select_n3A_442 = arith.select %lt3A_437, %broadcast_in_dim3A_440, %broadcast_in_dim3A_441 : vector<16xi1>, vector<16xf32>
      %add3A_443 = arith.addf %add3A_407, %select_n3A_434 : vector<16xf32>
      %add3A_444 = arith.addf %add3A_408, %select_n3A_442 : vector<16xf32>
      %mul3A_445 = arith.mulf %mul3A_426, %select_n3A_434 : vector<16xf32>
      %add3A_446 = arith.addf %add3A_410, %mul3A_445 : vector<16xf32>
      %mul3A_447 = arith.mulf %mul3A_426, %select_n3A_442 : vector<16xf32>
      %add3A_448 = arith.addf %add3A_412, %mul3A_447 : vector<16xf32>
      scf.yield %add3A_443, %add3A_444, %add3A_446, %add3A_448 : vector<16xf32>, vector<16xf32>, vector<16xf32>, vector<16xf32>
    }
    %scan3A_141 = arith.constant 1024 : i32
    %scan3A_142 = arith.constant 1 : i32
    %swap3A = arith.constant 0 : index
    %swap3A_143 = tpu.vector_load %arg10[%swap3A] {strides = array<i32>} : memref<64xf32, #tpu.memory_space<vmem>>, vector<16xf32>,
    %swap3A_144 = vector.shape_cast %swap3A_143 : vector<16xf32> to vector<16xf32>
    %swap3A_145 = vector.shape_cast %scan3A_140#0 : vector<16xf32> to vector<16xf32>
    tpu.vector_store %arg10[%swap3A], %swap3A_145 {strides = array<i32>} : memref<64xf32, #tpu.memory_space<vmem>>, vector<16xf32>,
    %swap3A_146 = arith.constant 16 : index
    %swap3A_147 = tpu.vector_load %arg10[%swap3A_146] {strides = array<i32>} : memref<64xf32, #tpu.memory_space<vmem>>, vector<16xf32>,
    %swap3A_148 = vector.shape_cast %swap3A_147 : vector<16xf32> to vector<16xf32>
    %swap3A_149 = vector.shape_cast %scan3A_140#1 : vector<16xf32> to vector<16xf32>
    tpu.vector_store %arg10[%swap3A_146], %swap3A_149 {strides = array<i32>} : memref<64xf32, #tpu.memory_space<vmem>>, vector<16xf32>,
    %swap3A_150 = arith.constant 32 : index
    %swap3A_151 = tpu.vector_load %arg10[%swap3A_150] {strides = array<i32>} : memref<64xf32, #tpu.memory_space<vmem>>, vector<16xf32>,
    %swap3A_152 = vector.shape_cast %swap3A_151 : vector<16xf32> to vector<16xf32>
    %swap3A_153 = vector.shape_cast %scan3A_140#2 : vector<16xf32> to vector<16xf32>
    tpu.vector_store %arg10[%swap3A_150], %swap3A_153 {strides = array<i32>} : memref<64xf32, #tpu.memory_space<vmem>>, vector<16xf32>,
    %swap3A_154 = arith.constant 48 : index
    %swap3A_155 = tpu.vector_load %arg10[%swap3A_154] {strides = array<i32>} : memref<64xf32, #tpu.memory_space<vmem>>, vector<16xf32>,
    %swap3A_156 = vector.shape_cast %swap3A_155 : vector<16xf32> to vector<16xf32>
    %swap3A_157 = vector.shape_cast %scan3A_140#3 : vector<16xf32> to vector<16xf32>
    tpu.vector_store %arg10[%swap3A_154], %swap3A_157 {strides = array<i32>} : memref<64xf32, #tpu.memory_space<vmem>>, vector<16xf32>,
    %mul3A_158 = arith.constant 64 : i32
    %mul3A_159 = arith.muli %add3A, %mul3A_158 : i32
    "tpu.region"() ({
      %run_scoped3A = tpu.sem_alloc : memref<!tpu.dma_semaphore, #tpu.memory_space<semaphore_mem>>
      %dma_start3A_160 = tpu.memref_slice %arg5[%mul3A_159] : memref<2048xf32, #tpu.memory_space<hbm>> -> memref<64xf32, #tpu.memory_space<hbm>>
      %dma_start3A_161 = tpu.memref_slice %arg5[%mul3A_159] : memref<2048xf32, #tpu.memory_space<hbm>> -> memref<64xf32, #tpu.memory_space<hbm>>
      tpu.enqueue_dma source(%arg10 : memref<64xf32, #tpu.memory_space<vmem>>) target(%dma_start3A_161 : memref<64xf32, #tpu.memory_space<hbm>>) target_semaphore(%run_scoped3A : memref<!tpu.dma_semaphore, #tpu.memory_space<semaphore_mem>>)
      %dma_wait3A_162 = tpu.memref_slice %arg5[%mul3A_159] : memref<2048xf32, #tpu.memory_space<hbm>> -> memref<64xf32, #tpu.memory_space<hbm>>
      %dma_wait3A_163 = tpu.memref_slice %arg5[%mul3A_159] : memref<2048xf32, #tpu.memory_space<hbm>> -> memref<64xf32, #tpu.memory_space<hbm>>
      tpu.wait_dma2 semaphore(%run_scoped3A : memref<!tpu.dma_semaphore, #tpu.memory_space<semaphore_mem>>) src(%arg10 : memref<64xf32, #tpu.memory_space<vmem>>) dst(%dma_wait3A_163 : memref<64xf32, #tpu.memory_space<hbm>>)
      tpu.yield
    }) : () -> ()
    return
  }
}

module attributes {stable_mosaic.version = 14 : i64} {
  func.func @_tc_body(%arg0: i32, %arg1: memref<2x2x512x512xf32, #tpu.memory_space<vmem>>, %arg2: memref<2x512x512xf32, #tpu.memory_space<vmem>>, %arg3: memref<2x512x512xf32, #tpu.memory_space<vmem>>, %arg4: memref<8x8x512xf32, #tpu.memory_space<vmem>>) attributes {dimension_semantics = [#tpu.dimension_semantics<arbitrary>], iteration_bounds = array<i64: 7>, scalar_prefetch = 0 : i64, scratch_operands = 0 : i64, tpu.core_type = #tpu.core_type<tc>, window_params = [{transform_indices = @transform_0, window_bounds = array<i64: 2, 2, 512, 512>}, {transform_indices = @transform_1, window_bounds = array<i64: 2, 512, 512>}, {transform_indices = @transform_2, window_bounds = array<i64: 2, 512, 512>}, {pipeline_mode = #tpu.pipeline_mode<synchronous>, transform_indices = @transform_3, window_bounds = array<i64: 8, 8, 512>}]} {
    %eq3A = arith.constant 0 : i32
    %eq3A_0 = arith.cmpi eq, %arg0, %eq3A : i32
    %convert_element_type3A = arith.extui %eq3A_0 : i1 to i32
    %cond3A = arith.constant 0 : i32
    %cond3A_1 = arith.cmpi ne, %convert_element_type3A, %cond3A : i32
    scf.if %cond3A_1 {
      %broadcast_in_dim3A = arith.constant 0.000000e+00 : f32
      %broadcast_in_dim3A_165 = vector.broadcast %broadcast_in_dim3A : f32 to vector<8x8x512xf32>
      %swap3A_166 = arith.constant 0 : index
      %swap3A_167 = arith.constant 0 : index
      %swap3A_168 = arith.constant 0 : index
      %swap3A_169 = vector.load %arg4[%swap3A_166, %swap3A_167, %swap3A_168] : memref<8x8x512xf32, #tpu.memory_space<vmem>>, vector<8x8x512xf32>
      tpu.vector_store %arg4[%swap3A_166, %swap3A_167, %swap3A_168], %broadcast_in_dim3A_165 {strides = array<i32>} : memref<8x8x512xf32, #tpu.memory_space<vmem>>, vector<8x8x512xf32>,
    } else {
    }
    %get3A = arith.constant 0 : index
    %get3A_2 = arith.constant 0 : index
    %get3A_3 = arith.constant 0 : index
    %get3A_4 = arith.constant 0 : index
    %get3A_5 = vector.load %arg1[%get3A, %get3A_2, %get3A_3, %get3A_4] : memref<2x2x512x512xf32, #tpu.memory_space<vmem>>, vector<2x1x512x512xf32>
    %get3A_6 = vector.shape_cast %get3A_5 : vector<2x1x512x512xf32> to vector<2x512x512xf32>
    %reshape3A = vector.shape_cast %get3A_6 : vector<2x512x512xf32> to vector<1024x512xf32>
    %get3A_7 = arith.constant 0 : index
    %get3A_8 = arith.constant 0 : index
    %get3A_9 = arith.constant 0 : index
    %get3A_10 = vector.load %arg2[%get3A_7, %get3A_8, %get3A_9] : memref<2x512x512xf32, #tpu.memory_space<vmem>>, vector<2x512x512xf32>
    %reshape3A_11 = vector.shape_cast %get3A_10 : vector<2x512x512xf32> to vector<1024x512xf32>
    %sub3A = arith.subf %reshape3A, %reshape3A_11 : vector<1024x512xf32>
    %mul3A = arith.mulf %sub3A, %sub3A : vector<1024x512xf32>
    %ge3A = arith.constant 3.000000e-01 : f32
    %ge3A_12 = vector.broadcast %ge3A : f32 to vector<1024x512xf32>
    %ge3A_13 = arith.cmpf oge, %reshape3A_11, %ge3A_12 : vector<1024x512xf32>
    %convert_element_type3A_14 = arith.extui %ge3A_13 : vector<1024x512xi1> to vector<1024x512xi32>
    %convert_element_type3A_15 = arith.sitofp %convert_element_type3A_14 : vector<1024x512xi32> to vector<1024x512xf32>
    %lt3A = arith.constant 1.000000e-01 : f32
    %lt3A_16 = vector.broadcast %lt3A : f32 to vector<1024x512xf32>
    %lt3A_17 = arith.cmpf olt, %reshape3A_11, %lt3A_16 : vector<1024x512xf32>
    %convert_element_type3A_18 = arith.extui %lt3A_17 : vector<1024x512xi1> to vector<1024x512xi32>
    %convert_element_type3A_19 = arith.sitofp %convert_element_type3A_18 : vector<1024x512xi32> to vector<1024x512xf32>
    %reshape3A_20 = vector.shape_cast %convert_element_type3A_15 : vector<1024x512xf32> to vector<128x8x512xf32>
    %reduce_sum3A = arith.constant dense<0.000000e+00> : vector<8x512xf32>
    %reduce_sum3A_21 = vector.multi_reduction <add>, %reshape3A_20, %reduce_sum3A [0] : vector<128x8x512xf32> to vector<8x512xf32>
    %reshape3A_22 = vector.shape_cast %convert_element_type3A_19 : vector<1024x512xf32> to vector<128x8x512xf32>
    %reduce_sum3A_23 = arith.constant dense<0.000000e+00> : vector<8x512xf32>
    %reduce_sum3A_24 = vector.multi_reduction <add>, %reshape3A_22, %reduce_sum3A_23 [0] : vector<128x8x512xf32> to vector<8x512xf32>
    %mul3A_25 = arith.mulf %mul3A, %convert_element_type3A_15 : vector<1024x512xf32>
    %reshape3A_26 = vector.shape_cast %mul3A_25 : vector<1024x512xf32> to vector<128x8x512xf32>
    %reduce_sum3A_27 = arith.constant dense<0.000000e+00> : vector<8x512xf32>
    %reduce_sum3A_28 = vector.multi_reduction <add>, %reshape3A_26, %reduce_sum3A_27 [0] : vector<128x8x512xf32> to vector<8x512xf32>
    %mul3A_29 = arith.mulf %mul3A, %convert_element_type3A_19 : vector<1024x512xf32>
    %reshape3A_30 = vector.shape_cast %mul3A_29 : vector<1024x512xf32> to vector<128x8x512xf32>
    %reduce_sum3A_31 = arith.constant dense<0.000000e+00> : vector<8x512xf32>
    %reduce_sum3A_32 = vector.multi_reduction <add>, %reshape3A_30, %reduce_sum3A_31 [0] : vector<128x8x512xf32> to vector<8x512xf32>
    %get3A_33 = arith.constant 0 : index
    %get3A_34 = arith.constant 1 : index
    %get3A_35 = arith.constant 0 : index
    %get3A_36 = arith.constant 0 : index
    %get3A_37 = vector.load %arg1[%get3A_33, %get3A_34, %get3A_35, %get3A_36] : memref<2x2x512x512xf32, #tpu.memory_space<vmem>>, vector<2x1x512x512xf32>
    %get3A_38 = vector.shape_cast %get3A_37 : vector<2x1x512x512xf32> to vector<2x512x512xf32>
    %reshape3A_39 = vector.shape_cast %get3A_38 : vector<2x512x512xf32> to vector<1024x512xf32>
    %get3A_40 = arith.constant 0 : index
    %get3A_41 = arith.constant 0 : index
    %get3A_42 = arith.constant 0 : index
    %get3A_43 = vector.load %arg3[%get3A_40, %get3A_41, %get3A_42] : memref<2x512x512xf32, #tpu.memory_space<vmem>>, vector<2x512x512xf32>
    %reshape3A_44 = vector.shape_cast %get3A_43 : vector<2x512x512xf32> to vector<1024x512xf32>
    %sub3A_45 = arith.subf %reshape3A_39, %reshape3A_44 : vector<1024x512xf32>
    %mul3A_46 = arith.mulf %sub3A_45, %sub3A_45 : vector<1024x512xf32>
    %ge3A_47 = arith.constant 3.000000e-01 : f32
    %ge3A_48 = vector.broadcast %ge3A_47 : f32 to vector<1024x512xf32>
    %ge3A_49 = arith.cmpf oge, %reshape3A_44, %ge3A_48 : vector<1024x512xf32>
    %convert_element_type3A_50 = arith.extui %ge3A_49 : vector<1024x512xi1> to vector<1024x512xi32>
    %convert_element_type3A_51 = arith.sitofp %convert_element_type3A_50 : vector<1024x512xi32> to vector<1024x512xf32>
    %lt3A_52 = arith.constant 1.000000e-01 : f32
    %lt3A_53 = vector.broadcast %lt3A_52 : f32 to vector<1024x512xf32>
    %lt3A_54 = arith.cmpf olt, %reshape3A_44, %lt3A_53 : vector<1024x512xf32>
    %convert_element_type3A_55 = arith.extui %lt3A_54 : vector<1024x512xi1> to vector<1024x512xi32>
    %convert_element_type3A_56 = arith.sitofp %convert_element_type3A_55 : vector<1024x512xi32> to vector<1024x512xf32>
    %reshape3A_57 = vector.shape_cast %convert_element_type3A_51 : vector<1024x512xf32> to vector<128x8x512xf32>
    %reduce_sum3A_58 = arith.constant dense<0.000000e+00> : vector<8x512xf32>
    %reduce_sum3A_59 = vector.multi_reduction <add>, %reshape3A_57, %reduce_sum3A_58 [0] : vector<128x8x512xf32> to vector<8x512xf32>
    %reshape3A_60 = vector.shape_cast %convert_element_type3A_56 : vector<1024x512xf32> to vector<128x8x512xf32>
    %reduce_sum3A_61 = arith.constant dense<0.000000e+00> : vector<8x512xf32>
    %reduce_sum3A_62 = vector.multi_reduction <add>, %reshape3A_60, %reduce_sum3A_61 [0] : vector<128x8x512xf32> to vector<8x512xf32>
    %mul3A_63 = arith.mulf %mul3A_46, %convert_element_type3A_51 : vector<1024x512xf32>
    %reshape3A_64 = vector.shape_cast %mul3A_63 : vector<1024x512xf32> to vector<128x8x512xf32>
    %reduce_sum3A_65 = arith.constant dense<0.000000e+00> : vector<8x512xf32>
    %reduce_sum3A_66 = vector.multi_reduction <add>, %reshape3A_64, %reduce_sum3A_65 [0] : vector<128x8x512xf32> to vector<8x512xf32>
    %mul3A_67 = arith.mulf %mul3A_46, %convert_element_type3A_56 : vector<1024x512xf32>
    %reshape3A_68 = vector.shape_cast %mul3A_67 : vector<1024x512xf32> to vector<128x8x512xf32>
    %reduce_sum3A_69 = arith.constant dense<0.000000e+00> : vector<8x512xf32>
    %reduce_sum3A_70 = vector.multi_reduction <add>, %reshape3A_68, %reduce_sum3A_69 [0] : vector<128x8x512xf32> to vector<8x512xf32>
    %get3A_71 = arith.constant 0 : index
    %get3A_72 = arith.constant 0 : index
    %get3A_73 = arith.constant 0 : index
    %get3A_74 = vector.load %arg4[%get3A_71, %get3A_72, %get3A_73] : memref<8x8x512xf32, #tpu.memory_space<vmem>>, vector<1x8x512xf32>
    %get3A_75 = vector.shape_cast %get3A_74 : vector<1x8x512xf32> to vector<8x512xf32>
    %add3A = arith.addf %get3A_75, %reduce_sum3A_21 : vector<8x512xf32>
    %swap3A = arith.constant 0 : index
    %swap3A_76 = arith.constant 0 : index
    %swap3A_77 = arith.constant 0 : index
    %swap3A_78 = vector.load %arg4[%swap3A, %swap3A_76, %swap3A_77] : memref<8x8x512xf32, #tpu.memory_space<vmem>>, vector<1x8x512xf32>
    %swap3A_79 = vector.shape_cast %swap3A_78 : vector<1x8x512xf32> to vector<8x512xf32>
    %swap3A_80 = vector.shape_cast %add3A : vector<8x512xf32> to vector<1x8x512xf32>
    tpu.vector_store %arg4[%swap3A, %swap3A_76, %swap3A_77], %swap3A_80 {strides = array<i32>} : memref<8x8x512xf32, #tpu.memory_space<vmem>>, vector<1x8x512xf32>,
    %get3A_81 = arith.constant 1 : index
    %get3A_82 = arith.constant 0 : index
    %get3A_83 = arith.constant 0 : index
    %get3A_84 = vector.load %arg4[%get3A_81, %get3A_82, %get3A_83] : memref<8x8x512xf32, #tpu.memory_space<vmem>>, vector<1x8x512xf32>
    %get3A_85 = vector.shape_cast %get3A_84 : vector<1x8x512xf32> to vector<8x512xf32>
    %add3A_86 = arith.addf %get3A_85, %reduce_sum3A_24 : vector<8x512xf32>
    %swap3A_87 = arith.constant 1 : index
    %swap3A_88 = arith.constant 0 : index
    %swap3A_89 = arith.constant 0 : index
    %swap3A_90 = vector.load %arg4[%swap3A_87, %swap3A_88, %swap3A_89] : memref<8x8x512xf32, #tpu.memory_space<vmem>>, vector<1x8x512xf32>
    %swap3A_91 = vector.shape_cast %swap3A_90 : vector<1x8x512xf32> to vector<8x512xf32>
    %swap3A_92 = vector.shape_cast %add3A_86 : vector<8x512xf32> to vector<1x8x512xf32>
    tpu.vector_store %arg4[%swap3A_87, %swap3A_88, %swap3A_89], %swap3A_92 {strides = array<i32>} : memref<8x8x512xf32, #tpu.memory_space<vmem>>, vector<1x8x512xf32>,
    %get3A_93 = arith.constant 2 : index
    %get3A_94 = arith.constant 0 : index
    %get3A_95 = arith.constant 0 : index
    %get3A_96 = vector.load %arg4[%get3A_93, %get3A_94, %get3A_95] : memref<8x8x512xf32, #tpu.memory_space<vmem>>, vector<1x8x512xf32>
    %get3A_97 = vector.shape_cast %get3A_96 : vector<1x8x512xf32> to vector<8x512xf32>
    %add3A_98 = arith.addf %get3A_97, %reduce_sum3A_28 : vector<8x512xf32>
    %swap3A_99 = arith.constant 2 : index
    %swap3A_100 = arith.constant 0 : index
    %swap3A_101 = arith.constant 0 : index
    %swap3A_102 = vector.load %arg4[%swap3A_99, %swap3A_100, %swap3A_101] : memref<8x8x512xf32, #tpu.memory_space<vmem>>, vector<1x8x512xf32>
    %swap3A_103 = vector.shape_cast %swap3A_102 : vector<1x8x512xf32> to vector<8x512xf32>
    %swap3A_104 = vector.shape_cast %add3A_98 : vector<8x512xf32> to vector<1x8x512xf32>
    tpu.vector_store %arg4[%swap3A_99, %swap3A_100, %swap3A_101], %swap3A_104 {strides = array<i32>} : memref<8x8x512xf32, #tpu.memory_space<vmem>>, vector<1x8x512xf32>,
    %get3A_105 = arith.constant 3 : index
    %get3A_106 = arith.constant 0 : index
    %get3A_107 = arith.constant 0 : index
    %get3A_108 = vector.load %arg4[%get3A_105, %get3A_106, %get3A_107] : memref<8x8x512xf32, #tpu.memory_space<vmem>>, vector<1x8x512xf32>
    %get3A_109 = vector.shape_cast %get3A_108 : vector<1x8x512xf32> to vector<8x512xf32>
    %add3A_110 = arith.addf %get3A_109, %reduce_sum3A_32 : vector<8x512xf32>
    %swap3A_111 = arith.constant 3 : index
    %swap3A_112 = arith.constant 0 : index
    %swap3A_113 = arith.constant 0 : index
    %swap3A_114 = vector.load %arg4[%swap3A_111, %swap3A_112, %swap3A_113] : memref<8x8x512xf32, #tpu.memory_space<vmem>>, vector<1x8x512xf32>
    %swap3A_115 = vector.shape_cast %swap3A_114 : vector<1x8x512xf32> to vector<8x512xf32>
    %swap3A_116 = vector.shape_cast %add3A_110 : vector<8x512xf32> to vector<1x8x512xf32>
    tpu.vector_store %arg4[%swap3A_111, %swap3A_112, %swap3A_113], %swap3A_116 {strides = array<i32>} : memref<8x8x512xf32, #tpu.memory_space<vmem>>, vector<1x8x512xf32>,
    %get3A_117 = arith.constant 4 : index
    %get3A_118 = arith.constant 0 : index
    %get3A_119 = arith.constant 0 : index
    %get3A_120 = vector.load %arg4[%get3A_117, %get3A_118, %get3A_119] : memref<8x8x512xf32, #tpu.memory_space<vmem>>, vector<1x8x512xf32>
    %get3A_121 = vector.shape_cast %get3A_120 : vector<1x8x512xf32> to vector<8x512xf32>
    %add3A_122 = arith.addf %get3A_121, %reduce_sum3A_59 : vector<8x512xf32>
    %swap3A_123 = arith.constant 4 : index
    %swap3A_124 = arith.constant 0 : index
    %swap3A_125 = arith.constant 0 : index
    %swap3A_126 = vector.load %arg4[%swap3A_123, %swap3A_124, %swap3A_125] : memref<8x8x512xf32, #tpu.memory_space<vmem>>, vector<1x8x512xf32>
    %swap3A_127 = vector.shape_cast %swap3A_126 : vector<1x8x512xf32> to vector<8x512xf32>
    %swap3A_128 = vector.shape_cast %add3A_122 : vector<8x512xf32> to vector<1x8x512xf32>
    tpu.vector_store %arg4[%swap3A_123, %swap3A_124, %swap3A_125], %swap3A_128 {strides = array<i32>} : memref<8x8x512xf32, #tpu.memory_space<vmem>>, vector<1x8x512xf32>,
    %get3A_129 = arith.constant 5 : index
    %get3A_130 = arith.constant 0 : index
    %get3A_131 = arith.constant 0 : index
    %get3A_132 = vector.load %arg4[%get3A_129, %get3A_130, %get3A_131] : memref<8x8x512xf32, #tpu.memory_space<vmem>>, vector<1x8x512xf32>
    %get3A_133 = vector.shape_cast %get3A_132 : vector<1x8x512xf32> to vector<8x512xf32>
    %add3A_134 = arith.addf %get3A_133, %reduce_sum3A_62 : vector<8x512xf32>
    %swap3A_135 = arith.constant 5 : index
    %swap3A_136 = arith.constant 0 : index
    %swap3A_137 = arith.constant 0 : index
    %swap3A_138 = vector.load %arg4[%swap3A_135, %swap3A_136, %swap3A_137] : memref<8x8x512xf32, #tpu.memory_space<vmem>>, vector<1x8x512xf32>
    %swap3A_139 = vector.shape_cast %swap3A_138 : vector<1x8x512xf32> to vector<8x512xf32>
    %swap3A_140 = vector.shape_cast %add3A_134 : vector<8x512xf32> to vector<1x8x512xf32>
    tpu.vector_store %arg4[%swap3A_135, %swap3A_136, %swap3A_137], %swap3A_140 {strides = array<i32>} : memref<8x8x512xf32, #tpu.memory_space<vmem>>, vector<1x8x512xf32>,
    %get3A_141 = arith.constant 6 : index
    %get3A_142 = arith.constant 0 : index
    %get3A_143 = arith.constant 0 : index
    %get3A_144 = vector.load %arg4[%get3A_141, %get3A_142, %get3A_143] : memref<8x8x512xf32, #tpu.memory_space<vmem>>, vector<1x8x512xf32>
    %get3A_145 = vector.shape_cast %get3A_144 : vector<1x8x512xf32> to vector<8x512xf32>
    %add3A_146 = arith.addf %get3A_145, %reduce_sum3A_66 : vector<8x512xf32>
    %swap3A_147 = arith.constant 6 : index
    %swap3A_148 = arith.constant 0 : index
    %swap3A_149 = arith.constant 0 : index
    %swap3A_150 = vector.load %arg4[%swap3A_147, %swap3A_148, %swap3A_149] : memref<8x8x512xf32, #tpu.memory_space<vmem>>, vector<1x8x512xf32>
    %swap3A_151 = vector.shape_cast %swap3A_150 : vector<1x8x512xf32> to vector<8x512xf32>
    %swap3A_152 = vector.shape_cast %add3A_146 : vector<8x512xf32> to vector<1x8x512xf32>
    tpu.vector_store %arg4[%swap3A_147, %swap3A_148, %swap3A_149], %swap3A_152 {strides = array<i32>} : memref<8x8x512xf32, #tpu.memory_space<vmem>>, vector<1x8x512xf32>,
    %get3A_153 = arith.constant 7 : index
    %get3A_154 = arith.constant 0 : index
    %get3A_155 = arith.constant 0 : index
    %get3A_156 = vector.load %arg4[%get3A_153, %get3A_154, %get3A_155] : memref<8x8x512xf32, #tpu.memory_space<vmem>>, vector<1x8x512xf32>
    %get3A_157 = vector.shape_cast %get3A_156 : vector<1x8x512xf32> to vector<8x512xf32>
    %add3A_158 = arith.addf %get3A_157, %reduce_sum3A_70 : vector<8x512xf32>
    %swap3A_159 = arith.constant 7 : index
    %swap3A_160 = arith.constant 0 : index
    %swap3A_161 = arith.constant 0 : index
    %swap3A_162 = vector.load %arg4[%swap3A_159, %swap3A_160, %swap3A_161] : memref<8x8x512xf32, #tpu.memory_space<vmem>>, vector<1x8x512xf32>
    %swap3A_163 = vector.shape_cast %swap3A_162 : vector<1x8x512xf32> to vector<8x512xf32>
    %swap3A_164 = vector.shape_cast %add3A_158 : vector<8x512xf32> to vector<1x8x512xf32>
    tpu.vector_store %arg4[%swap3A_159, %swap3A_160, %swap3A_161], %swap3A_164 {strides = array<i32>} : memref<8x8x512xf32, #tpu.memory_space<vmem>>, vector<1x8x512xf32>,
    return
  }
  func.func @transform_0(%arg0: i32) -> (i32, i32, i32, i32) {
    %c0_i32 = arith.constant 0 : i32
    %c0_i32_0 = arith.constant 0 : i32
    %c0_i32_1 = arith.constant 0 : i32
    %c0_i32_2 = arith.constant 0 : i32
    return %arg0, %c0_i32, %c0_i32_0, %c0_i32_1 : i32, i32, i32, i32
  }
  func.func @transform_1(%arg0: i32) -> (i32, i32, i32) {
    %c0_i32 = arith.constant 0 : i32
    %c0_i32_0 = arith.constant 0 : i32
    %c0_i32_1 = arith.constant 0 : i32
    return %arg0, %c0_i32, %c0_i32_0 : i32, i32, i32
  }
  func.func @transform_2(%arg0: i32) -> (i32, i32, i32) {
    %c0_i32 = arith.constant 0 : i32
    %c0_i32_0 = arith.constant 0 : i32
    %c0_i32_1 = arith.constant 0 : i32
    return %arg0, %c0_i32, %c0_i32_0 : i32, i32, i32
  }
  func.func @transform_3(%arg0: i32) -> (i32, i32, i32) {
    %c0_i32 = arith.constant 0 : i32
    %c0_i32_0 = arith.constant 0 : i32
    %c0_i32_1 = arith.constant 0 : i32
    %c0_i32_2 = arith.constant 0 : i32
    return %c0_i32, %c0_i32_0, %c0_i32_1 : i32, i32, i32
  }
}

</mosaic_0001>

<sc_bundles>
// kernel: kernel.4.cloned.1.call-start
scs
__scs_entry_jumppad:
0x0: {  	(pc) =	sbr.rel $0x88, $3  }
0x1: {  	(tag) =	ssettag $0x0;
	lr =	simm.s32 $0x1  }
0x2: {  	[smem:$0x3F9E] =	sst lr;
	_ =	strace $0xD0000000  }
0x3: {  	_ = 	snop  }
0x4: {  	_ = 	snop  }
0x5: {  	_ = 	snop  }
0x6: {  	_ = 	snop  }
0x7: {  	_ = 	snop  }
__scs_overlays_trampoline_lowered:
0x8: {  	[smem:$0x3FAD] =	sst s0  }
0x9: {  	[smem:$0x3FAE] =	sst s1  }
0xa: {  	[smem:$0x3FAF] =	sst s2  }
0xb: {  	[smem:$0x3FB0] =	sst s3  }
0xc: {  	[smem:$0x3FB1] =	sst s4  }
0xd: {  	[smem:$0x3FB2] =	sst s5  }
0xe: {  	[smem:$0x3FB3] =	sst s6  }
0xf: {  	[smem:$0x3FB4] =	sst s7  }
0x10: {  	[smem:$0x3FB5] =	sst s8  }
0x11: {  	[smem:$0x3FB6] =	sst s9;
	s0 =	simm.s32 @!p0 $0x0  }
0x12: {  	s1 =	sld [smem:$0x3F9C];
	s0 =	simm.s32 @p0 $0x1  }
0x13: {  	[smem:$0x3FB7] =	sst s0;
	s0 =	simm.s32 @!p1 $0x0  }
0x14: {  	s2 =	sld [smem:$0x3F9B];
	s0 =	simm.s32 @p1 $0x1  }
0x15: {  	[smem:$0x3FB8] =	sst s0;
	s0 =	simm.s32 @!p2 $0x0  }
0x16: {  	s3 =	sld [smem:$0x3FDB];
	s0 =	simm.s32 @p2 $0x1  }
0x17: {  	s4 =	simm.s32 $0x1BF5;
	[smem:$0x3FBA] =	sst s0  }
0x18: {  	s0 =	sld [smem:$0x3F9D];
	_ =	swait.ge [sflag:s4], $0x0  }
0x19: {  	s7 =	sld [smem:$0x3F9E]  }
0x1a: {  	s8 =	sadd.s32 $0xFFFFE003, lr  }
0x1b: {  	s9 =	sadd.s32 $0xFFFFFEF7, lr;
	s5 =	simm.s32 $0xFFFFFFFF;
	p2 =	slt.u32 s8, $0xFFFFF086  }
0x1c: {  	p1 =	slt.u32 s9, $0xF7A;
	s5 =	simm.s32 @!p2 $0x0  }
0x1d: {  	s5 =	simm.s32 @p1 $0x1;
	p0 =	seq.s32 s7, s2  }
0x1e: {  	s7 =	smul.u32 @!p0 $0xF7A, s2;
	p2 =	seq.s32 @!p0 s5, $0x0  }
0x1f: {  	s9 =	smul.u32 $0xF7A, s1;
	s8 =	simm.s32 @!p0 $0x1BF5;
	p2 =	por !p2, p0  }
0x20: {  	[sflag:s8] =	ssyncset.s32 @!p0 $0xFFFFF086;
	s6 =	sadd.s32 @!p0 s3, s7;
	s7 =	simm.s32 @!p0 $0x108  }
0x21: {  	s3 =	sadd.s32 s3, s9;
	s6 =	sadd.s32 @!p0 $0x88, s6;
	s7 =	simm.s32 @p2 $0x1082  }
0x22: {  	[simem:s7], [sflag:s8] =	dma.local @!p0 [hbm:s6], $0xF7A  }
0x23: {  	s9 =	sor.u32 $0xD0000000, s2;
	s6 =	simm.s32 $0x108;
	_ =	swait.ge @!p0 [sflag:s8], $0x0  }
0x24: {  	s3 =	sadd.s32 $0x88, s3;
	s6 =	simm.s32 @!p1 $0x1082;
	[sflag:s4] =	ssyncset.s32 $0xFFFFF086  }
0x25: {  	[simem:s6], [sflag:s4] =	dma.local [hbm:s3], $0xF7A  }
0x26: {  	[smem:$0x3F9E] =	sst s1;
	(tag) =	ssettag s2;
	_ =	strace s9  }
0x27: {  	s1 =	sld [smem:$0x3FAE]  }
0x28: {  	s2 =	sld [smem:$0x3FAF]  }
0x29: {  	s4 =	sld [smem:$0x3FB1]  }
0x2a: {  	p0 =	seq.s32 s5, $0x0;
	s5 =	sld [smem:$0x3FB2]  }
0x2b: {  	s6 =	sld [smem:$0x3FB3]  }
0x2c: {  	s7 =	sld [smem:$0x3FB4]  }
0x2d: {  	s3 =	simm.s32 $0x108;
	s8 =	sld [smem:$0x3FB5]  }
0x2e: {  	s3 =	simm.s32 @!p0 $0x1082;
	s9 =	sld [smem:$0x3FB6]  }
0x2f: {  	lr =	sadd.s32 s0, s3;
	s0 =	sld [smem:$0x3FAD]  }
0x30: {  	s3 =	sld [smem:$0x3FB0]  }
0x31: {  	[smem:$0x3FB9] =	sst s10  }
0x32: {  	s10 =	sld [smem:$0x3FB7];
	_ =	sdelay $0x3  }
0x33: {  	p0 =	seq.s32 s10, $0x1;
	s10 =	sld [smem:$0x3FB9];
	_ =	sdelay $0x3  }
0x34: {  	[smem:$0x3FB9] =	sst s10  }
0x35: {  	s10 =	sld [smem:$0x3FB8];
	_ =	sdelay $0x3  }
0x36: {  	p1 =	seq.s32 s10, $0x1;
	s10 =	sld [smem:$0x3FB9];
	_ =	sdelay $0x3  }
0x37: {  	[smem:$0x3FB9] =	sst s10  }
0x38: {  	s10 =	sld [smem:$0x3FBA]  }
0x39: {  	_ = 	snop;
	(pc) =	sbr.ind lr, $3  }
0x3a: {  	_ = 	snop  }
0x3b: {  	_ = 	snop  }
0x3c: {  	p2 =	seq.s32 s10, $0x1;
	s10 =	sld [smem:$0x3FB9]  }
0x3d: {  	_ =	shalt  }
0x3e: {  	_ =	shalt  }
0x3f: {  	_ =	shalt  }
0x40: {  	_ =	shalt  }
0x41: {  	_ =	shalt  }
0x42: {  	_ =	shalt  }
0x43: {  	_ =	shalt  }
0x44: {  	_ =	shalt  }
0x45: {  	_ =	shalt  }
0x46: {  	_ =	shalt  }
0x47: {  	_ =	shalt  }
0x48: {  	_ =	shalt  }
0x49: {  	_ =	shalt  }
0x4a: {  	_ =	shalt  }
0x4b: {  	_ =	shalt  }
0x4c: {  	_ =	shalt  }
0x4d: {  	_ =	shalt  }
0x4e: {  	_ =	shalt  }
0x4f: {  	_ =	shalt  }
0x50: {  	_ =	shalt  }
0x51: {  	_ =	shalt  }
0x52: {  	_ =	shalt  }
0x53: {  	_ =	shalt  }
0x54: {  	_ =	shalt  }
0x55: {  	_ =	shalt  }
0x56: {  	_ =	shalt  }
0x57: {  	_ =	shalt  }
0x58: {  	_ =	shalt  }
0x59: {  	_ =	shalt  }
0x5a: {  	_ =	shalt  }
0x5b: {  	_ =	shalt  }
0x5c: {  	_ =	shalt  }
0x5d: {  	_ =	shalt  }
0x5e: {  	_ =	shalt  }
0x5f: {  	_ =	shalt  }
0x60: {  	_ =	shalt  }
0x61: {  	_ =	shalt  }
0x62: {  	_ =	shalt  }
0x63: {  	_ =	shalt  }
0x64: {  	_ =	shalt  }
0x65: {  	_ =	shalt  }
0x66: {  	_ =	shalt  }
0x67: {  	_ =	shalt  }
0x68: {  	_ =	shalt  }
0x69: {  	_ =	shalt  }
0x6a: {  	_ =	shalt  }
0x6b: {  	_ =	shalt  }
0x6c: {  	_ =	shalt  }
0x6d: {  	_ =	shalt  }
0x6e: {  	_ =	shalt  }
0x6f: {  	_ =	shalt  }
0x70: {  	_ =	shalt  }
0x71: {  	_ =	shalt  }
0x72: {  	_ =	shalt  }
0x73: {  	_ =	shalt  }
0x74: {  	_ =	shalt  }
0x75: {  	_ =	shalt  }
0x76: {  	_ =	shalt  }
0x77: {  	_ =	shalt  }
0x78: {  	_ =	shalt  }
0x79: {  	_ =	shalt  }
0x7a: {  	_ =	shalt  }
0x7b: {  	_ =	shalt  }
0x7c: {  	_ =	shalt  }
0x7d: {  	_ =	shalt  }
0x7e: {  	_ =	shalt  }
0x7f: {  	_ =	shalt  }
0x80: {  	_ =	shalt  }
0x81: {  	_ =	shalt  }
0x82: {  	_ =	shalt  }
0x83: {  	_ =	shalt  }
0x84: {  	_ =	shalt  }
0x85: {  	_ =	shalt  }
0x86: {  	_ =	shalt  }
0x87: {  	_ =	shalt  }
.Lfunc_end0:
.L_simem_size_0:
called_computation_lowered:
.L_overlay_start_0:
0x88: {  	s2 =	sld [smem:$0x3FD9]  }
0x89: {  	s3 =	sld [smem:$0x3FFE];
	_ =	sdelay $0x1  }
0x8a: {  	s1 =	srdreg.scid  }
0x8b: {  	s0 =	sand.u32 $0x1, s1  }
0x8c: {  	s16 =	sshll.u32 s0, $0xA;
	s2 =	sadd.s32 s3, s2  }
0x8d: {  	s2 =	sadd.s32 s2, s16  }
0x8e: {  	[smem:$0x3FC5] =	sst s2  }
0x8f: {  	_ = 	snop  }
0x90: {  	(tm) =	ssettm $0x1  }
0x91: {  	s17 =	sld [smem:$0x3FFB];
	_ =	sdelay $0x3  }
0x92: {  	_ =	strace s17  }
0x93: {  	s2 =	sld [smem:$0x3FFC];
	_ =	sdelay $0x3  }
0x94: {  	_ =	strace s2  }
0x95: {  	s2 =	sld [smem:$0x3FFD];
	_ =	sdelay $0x3  }
0x96: {  	_ =	strace s2  }
0x97: {  	_ =	strace $0x8FFFFFFF  }
0x98: {  	s18 =	sld [smem:$0x3FDB];
	_ =	sdelay $0x1  }
0x99: {  	s19 =	simm.s32 $_scs_section_size  }
0x9a: {  	s4 =	simm.s32 $_size__tile_overlayer_lowered;
	s5 =	simm.s32 $_tile_overlayer_lowered  }
0x9b: {  	s22 =	simm.s32 $0x1BFF;
	s21 =	sshll.u32 s5, $0x1;
	s2 =	sadd.s32 s19, s18  }
0x9c: {  	s6 =	simm.s32 $0x0;
	s20 =	sshll.u32 s4, $0x1;
	s4 =	sadd.s32 s21, s2  }
0x9d: {  	[timem:s6], [sflag:s22] =	dma.local [hbm:s4], s20  }
0x9e: {  	_ =	swait.ge [sflag:s22], s20  }
0x9f: {  	s3 =	ssub.s32 $0x0, s20;
	[sflag:s22] =	ssyncset.done $0x0  }
0xa0: {  	[sflag:s22] =	ssyncadd.s32 s3;
	_ =	sdelay $0x1  }
0xa1: {  	s23 =	simm.s32 $0x1B8B  }
0xa2: {  	_ =	swait.ge [sflag:s23], $0x1  }
0xa3: {  	[sflag:s23] =	ssyncset.done $0x0  }
0xa4: {  	s25 =	simm.s32 $0x1B8E;
	s24 =	sld [smem:$0x3FFE];
	[sflag:s23] =	ssyncadd.s32 $0xFFFFFFFF  }
0xa5: {  	s26 =	simm.s32 $execute0_lowered;
	[smem:$0x3FD2] =	sst s25  }
0xa6: {  	s4 =	sshll.u32 s26, $0x1;
	_ =	strace $0x80000046;
	[dreg:$0x1] =	wrdreg $0xFFFFFFFF  }
0xa7: {  	s28 =	simm.s32 $_size_execute0_lowered;
	s2 =	sadd.s32 s2, s4;
	[dreg:$0x0] =	wrdreg $0x0  }
0xa8: {  	s4 =	sshll.u32 s28, $0x1;
	[dreg:$0x2] =	wrdreg s2  }
0xa9: {  	[dreg:$0x3] =	wrdreg s4  }
0xaa: {  	[dreg:$0x4] =	wrdreg $0xC0  }
0xab: {  	_ =	task [dreg:s6], $0x5FFFF  }
0xac: {  	[dreg:$0x1] =	wrdreg $0xFFFFFFFF  }
0xad: {  	[dreg:$0x0] =	wrdreg $0x60  }
0xae: {  	[dreg:$0x2] =	wrdreg s24  }
0xaf: {  	[dreg:$0x3] =	wrdreg $0x9  }
0xb0: {  	_ =	task.clear_ibuf [dreg:s6], $0x4FFFF;
	_ =	strace $0x90000046  }
0xb1: {  	s29 =	simm.s32 $0x9;
	_ =	strace $0x80000048  }
0xb2: {  	_ =	swait.ge [sflag:s29], $0x1  }
0xb3: {  	[sflag:s29] =	ssyncadd.s32 $0xFFFFFFFF  }
0xb4: {  	_ =	strace $0x90000048  }
0xb5: {  	_ =	sfence  }
0xb6: {  	s30 =	sld [smem:$0x0];
	_ =	sdelay $0x2  }
0xb7: {  	s31 =	sshll.u32 s1, $0xD;
	s1 =	sshrl.u32 s1, $0x2  }
0xb8: {  	s3 =	sand.u32 $0x4000, s31;
	s1 =	sadd.s32 s1, s30  }
0xb9: {  	s0 =	sor.u32 s3, s0;
	s1 =	sshll.u32 s1, $0x11  }
0xba: {  	s0 =	sor.u32 s1, s0  }
0xbb: {  	s0 =	sadd.s32 $0x8F2B, s0  }
0xbc: {  	[sflag:s0] =	ssyncadd.remote.s32 $0x1  }
0xbd: {  	_ =	sfence.sel $0xFFFF  }
0xbe: {  	[dreg:$0x0] =	wrdreg $0xFFFFFFFF;
	(pc) =	sbr.abs _section_cstart, $3  }
0xbf: {  	[dreg:$0x1] =	wrdreg $0xFFFFFFFF  }
0xc0: {  	_ =	task.clear_ibuf [dreg:s6], $0x2FFFF;
	_ =	strace $0x9FFFFFFF  }
0xc1: {  	(tm) =	ssettm $0x7FFFFFFF  }
tec
execute0_lowered:
.L_overlay_start_1:
0x0: {  	(tag) =	ssettag $0x1  }
0x1: {  	s1 =	srdreg.scid  }
0x2: {  	s0 =	stileid.u32;
	s5 =	rddreg [dreg:$0x0];
	s2 =	simm.s32 $0x0  }
0x3: {  	s10 =	simm.s32 $0x20800;
	s12 =	simm.s32 $0xC000;
	s13 =	simm.s32 $0x2  }
0x4: {  	s14 =	simm.s32 $0x10000;
	s15 =	simm.s32 $0x3;
	s16 =	simm.s32 $0x0  }
0x5: {  	s3 =	sand.u32 $0x1, s1;
	s4 =	sshll.u32 s0, $0x1;
	s1 =	rddreg [dreg:$0x1]  }
0x6: {  	[smem:$0x7FF] =	sst s2;
	s29 =	sand.u32 $0x4, s0;
	s30 =	sshll.u32 s0, $0xC  }
0x7: {  	s4 =	sor.u32 s3, s4;
	_ =	strace $0x80000047;
	s3 =	ssub.s32 $0x2, s3  }
0x8: {  	p0 =	seq.s32 s29, $0x0;
	s6 =	sshll.u32 s4, $0xC;
	s4 =	sshll.u32 s4, $0x3  }
0x9: {  	s9 =	sshrl.u32 s3, $0x1;
	s10 =	simm.s32 @!p0 $0x30800;
	s7 =	sadd.s32 s6, s5  }
0xa: {  	s8 =	sadd.s32 s4, s5;
	s4 =	sand.u32 $0x8000, s30;
	s6 =	sand.u32 $0x7000, s6  }
0xb: {  	s9 =	ssub.s32 s3, s9;
	s31 =	sadd.s32 s10, s5;
	s10 =	simm.s32 $0x1  }
0xc: {  	s11 =	sor.u32 s4, s6;
	s3 =	sadd.s32 $0x800, s7;
	s4 =	sadd.s32 $0x1000, s7  }
0xd: {  	s5 =	sadd.s32 $0x40800, s8;
	s6 =	smax.u32 s9, $0x1;
	s7 =	sadd.s32 s31, s11  }
0xe: {  	v0 =	vimm.f32 $0.0e+00;
	s9 =	simm.s32 $0x4000;
	s11 =	simm.s32 $0x8000;
	s8 =	sadd.s32 $0x800, s7  }
.LBB2_1:
0xf: {  	[tilespmem:s2], [sflag:$0x1] =	stream.linear.gather [hbm4b:s3+s2], $0x4000, $0x38;
	[tilespmem:$0x10080] =	vst v63  }
0x10: {  	_ = 	snop  }
0x11: {  	[tilespmem:s9], [sflag:$0x1] =	stream.linear.gather [hbm4b:s7+s2], $0x4000, $0x38;
	[tilespmem:$0x10080] =	vst v63  }
0x12: {  	_ =	swait.ge [sflag:s10], $0x4000  }
0x13: {  	[sflag:s10] =	ssyncset.done $0x0  }
0x14: {  	[sflag:s10] =	ssyncadd.s32 $0xFFFFC000  }
0x15: {  	_ =	swait.ge [sflag:s10], $0x4000  }
0x16: {  	[sflag:s10] =	ssyncset.done $0x0  }
0x17: {  	[sflag:s10] =	ssyncadd.s32 $0xFFFFC000  }
0x18: {  	[tilespmem:s11], [sflag:$0x2] =	stream.linear.gather [hbm4b:s4+s2], $0x4000, $0x38;
	[tilespmem:$0x10080] =	vst v63  }
0x19: {  	s18 =	simm.s32 $0x40  }
0x1a: {  	[tilespmem:s12], [sflag:$0x2] =	stream.linear.gather [hbm4b:s8+s2], $0x4000, $0x38;
	[tilespmem:$0x10080] =	vst v63  }
0x1b: {  	s17 =	simm.s32 $0x4040;
	v1 =	vld [tilespmem:s18+$0x30]  }
0x1c: {  	v2 =	vld [tilespmem:s17+$0x30]  }
0x1d: {  	v3 =	vld [tilespmem:s18+$0x20]  }
0x1e: {  	v4 =	vld [tilespmem:s17+$0x20]  }
0x1f: {  	v5 =	vld [tilespmem:s18+$0x10]  }
0x20: {  	v6 =	vld [tilespmem:s17+$0x10]  }
0x21: {  	v7 =	vld [tilespmem:s18+$0x0]  }
0x22: {  	v8 =	vld [tilespmem:s17+$0x0]  }
0x23: {  	v9 =	vld [tilespmem:s18+$0xFFFFFFF0]  }
0x24: {  	v10 =	vld [tilespmem:s17+$0xFFFFFFF0]  }
0x25: {  	v11 =	vld [tilespmem:s18+$0xFFFFFFE0]  }
0x26: {  	v12 =	vld [tilespmem:s17+$0xFFFFFFE0];
	vm0 =	vge.f32 v2, $3.000000120e-01;
	vm1 =	vlt.f32 v2, $1.000000010e-01  }
0x27: {  	v14 =	vld [tilespmem:s17+$0xFFFFFFD0];
	vm2 =	vge.f32 v4, $3.000000120e-01;
	vm3 =	vlt.f32 v4, $1.000000010e-01;
	v17 =	vsub.f32 v1, v2  }
0x28: {  	v13 =	vld [tilespmem:s18+$0xFFFFFFD0];
	vm4 =	vge.f32 v6, $3.000000120e-01;
	vm5 =	vlt.f32 v6, $1.000000010e-01;
	v18 =	vsub.f32 v3, v4  }
0x29: {  	vm6 =	vge.f32 v8, $3.000000120e-01;
	vm7 =	vlt.f32 v8, $1.000000010e-01;
	v19 =	vsub.f32 v5, v6  }
0x2a: {  	vm8 =	vge.f32 v10, $3.000000120e-01;
	vm9 =	vlt.f32 v10, $1.000000010e-01;
	v20 =	vsub.f32 v7, v8  }
0x2b: {  	vm10 =	vge.f32 v12, $3.000000120e-01;
	vm11 =	vlt.f32 v12, $1.000000010e-01;
	v21 =	vsub.f32 v9, v10  }
0x2c: {  	v1 =	vld [tilespmem:s17+$0xFFFFFFC0];
	vm12 =	vge.f32 v14, $3.000000120e-01;
	vm13 =	vlt.f32 v14, $1.000000010e-01;
	v22 =	vsub.f32 v11, v12  }
0x2d: {  	v2 =	vld [tilespmem:s18+$0xFFFFFFC0];
	v23 =	vsub.f32 v13, v14;
	v6 =	vsel vm4, $0x3F800000, v0;
	v4 =	vsel vm2, $0x3F800000, v0  }
0x2e: {  	v3 =	vsel vm3, $0x3F800000, v0;
	v10 =	vsel vm6, $0x3F800000, v0;
	v9 =	vsel vm7, $0x3F800000, v0  }
0x2f: {  	v7 =	vsel vm5, $0x3F800000, v0;
	v15 =	vsel vm10, $0x3F800000, v0;
	v13 =	vsel vm8, $0x3F800000, v0  }
0x30: {  	v12 =	vsel vm9, $0x3F800000, v0;
	v16 =	vsel vm11, $0x3F800000, v0;
	v8 =	vmul.f32 v18, v18  }
0x31: {  	v26 =	vsel vm12, $0x3F800000, v0;
	v5 =	vmul.f32 v17, v17;
	v14 =	vmul.f32 v20, v20  }
0x32: {  	v11 =	vmul.f32 v19, v19;
	v17 =	vmul.f32 v21, v21;
	v24 =	vsub.f32 v2, v1  }
0x33: {  	v27 =	vsel vm13, $0x3F800000, v0;
	v25 =	vmul.f32 v23, v23;
	v18 =	vmul.f32 v22, v22  }
0x34: {  	vm14 =	vge.f32 v1, $3.000000120e-01;
	vm15 =	vlt.f32 v1, $1.000000010e-01;
	v19 =	vmul.f32 v24, v24  }
0x35: {  	v2 =	vsel vm0, $0x3F800000, v0;
	v20 =	vsel vm14, $0x3F800000, v0;
	v21 =	vsel vm15, $0x3F800000, v0  }
0x36: {  	v1 =	vsel vm1, $0x3F800000, v0;
	v22 =	vmul.f32 v20, v19;
	v19 =	vmul.f32 v21, v19  }
0x37: {  	v28 =	vadd.f32 v21, v0;
	v20 =	vadd.f32 v20, v0;
	v21 =	vmul.f32 v26, v25  }
0x38: {  	v25 =	vmul.f32 v27, v25;
	v24 =	vadd.f32 v22, v0;
	v23 =	vadd.f32 v19, v0  }
0x39: {  	s19 =	simm.s32 $0xC0;
	s18 =	simm.s32 $0x0;
	v22 =	vadd.f32 v26, v20;
	v20 =	vadd.f32 v27, v28;
	v19 =	vmul.f32 v15, v18  }
.LBB2_2:
0x3a: {  	v26 =	vld [tilespmem:s19+$0x30];
	v21 =	vadd.f32 v21, v24;
	v23 =	vadd.f32 v25, v23;
	v18 =	vmul.f32 v16, v18;
	s17 =	sadd.s32 $0x80, s17  }
0x3b: {  	v24 =	vld [tilespmem:s17+$0x30];
	v15 =	vadd.f32 v15, v22;
	v16 =	vadd.f32 v16, v20;
	v20 =	vmul.f32 v13, v17  }
0x3c: {  	v17 =	vmul.f32 v12, v17;
	v22 =	vld [tilespmem:s19+$0x20];
	v19 =	vadd.f32 v19, v21;
	v18 =	vadd.f32 v18, v23  }
0x3d: {  	v21 =	vld [tilespmem:s17+$0x20];
	v13 =	vadd.f32 v13, v15;
	v12 =	vadd.f32 v12, v16;
	v15 =	vmul.f32 v10, v14  }
0x3e: {  	v14 =	vmul.f32 v9, v14;
	v16 =	vld [tilespmem:s19+$0x10];
	v19 =	vadd.f32 v20, v19;
	v17 =	vadd.f32 v17, v18  }
0x3f: {  	v18 =	vld [tilespmem:s17+$0x10];
	v10 =	vadd.f32 v10, v13;
	v9 =	vadd.f32 v9, v12;
	v12 =	vmul.f32 v6, v11  }
0x40: {  	v11 =	vmul.f32 v7, v11;
	v13 =	vld [tilespmem:s19+$0x0];
	v15 =	vadd.f32 v15, v19;
	v14 =	vadd.f32 v14, v17  }
0x41: {  	v17 =	vld [tilespmem:s17+$0x0];
	v6 =	vadd.f32 v6, v10;
	v7 =	vadd.f32 v7, v9;
	v9 =	vmul.f32 v4, v8  }
0x42: {  	v8 =	vmul.f32 v3, v8;
	v10 =	vld [tilespmem:s19+$0xFFFFFFF0];
	v12 =	vadd.f32 v12, v15;
	v11 =	vadd.f32 v11, v14  }
0x43: {  	v14 =	vld [tilespmem:s17+$0xFFFFFFF0];
	v4 =	vadd.f32 v4, v6;
	v3 =	vadd.f32 v3, v7;
	v6 =	vmul.f32 v2, v5  }
0x44: {  	v5 =	vmul.f32 v1, v5;
	v7 =	vld [tilespmem:s19+$0xFFFFFFE0];
	v9 =	vadd.f32 v9, v12;
	v8 =	vadd.f32 v8, v11  }
0x45: {  	vm1 =	vge.f32 v24, $3.000000120e-01;
	v11 =	vld [tilespmem:s17+$0xFFFFFFE0];
	v19 =	vadd.f32 v2, v4;
	v20 =	vadd.f32 v1, v3  }
0x46: {  	vm2 =	vlt.f32 v24, $1.000000010e-01;
	v1 =	vld [tilespmem:s19+$0xFFFFFFD0];
	v23 =	vadd.f32 v6, v9;
	v25 =	vadd.f32 v5, v8  }
0x47: {  	vm3 =	vge.f32 v21, $3.000000120e-01;
	vm4 =	vlt.f32 v21, $1.000000010e-01;
	v5 =	vsub.f32 v26, v24;
	v2 =	vld [tilespmem:s17+$0xFFFFFFD0]  }
0x48: {  	vm7 =	vge.f32 v18, $3.000000120e-01;
	vm5 =	vlt.f32 v18, $1.000000010e-01;
	v8 =	vsub.f32 v22, v21;
	v3 =	vld [tilespmem:s17+$0xFFFFFFC0]  }
0x49: {  	v18 =	vsub.f32 v16, v18;
	vm8 =	vge.f32 v17, $3.000000120e-01;
	vm9 =	vlt.f32 v17, $1.000000010e-01;
	v4 =	vld [tilespmem:s19+$0xFFFFFFC0]  }
0x4a: {  	v17 =	vsub.f32 v13, v17;
	vm10 =	vge.f32 v14, $3.000000120e-01;
	vm11 =	vlt.f32 v14, $1.000000010e-01  }
0x4b: {  	v21 =	vsub.f32 v10, v14;
	vm12 =	vge.f32 v11, $3.000000120e-01;
	vm13 =	vlt.f32 v11, $1.000000010e-01  }
0x4c: {  	v22 =	vsub.f32 v7, v11;
	vm14 =	vge.f32 v2, $3.000000120e-01;
	vm0 =	vlt.f32 v2, $1.000000010e-01  }
0x4d: {  	s18 =	sadd.s32 $0x8, s18;
	v24 =	vsub.f32 v1, v2;
	vm15 =	vge.f32 v3, $3.000000120e-01;
	vm6 =	vlt.f32 v3, $1.000000010e-01  }
0x4e: {  	p0 =	slt.u32 s18, $0x3F8;
	v2 =	vsel vm1, $0x3F800000, v0;
	v1 =	vsel vm2, $0x3F800000, v0;
	v26 =	vsub.f32 v4, v3  }
0x4f: {  	v6 =	vsel vm7, $0x3F800000, v0;
	v4 =	vsel vm3, $0x3F800000, v0;
	v3 =	vsel vm4, $0x3F800000, v0  }
0x50: {  	v9 =	vsel vm9, $0x3F800000, v0;
	v10 =	vsel vm8, $0x3F800000, v0;
	v7 =	vsel vm5, $0x3F800000, v0  }
0x51: {  	v13 =	vsel vm10, $0x3F800000, v0;
	v12 =	vsel vm11, $0x3F800000, v0;
	v15 =	vsel vm12, $0x3F800000, v0  }
0x52: {  	v8 =	vmul.f32 v8, v8;
	v5 =	vmul.f32 v5, v5;
	v16 =	vsel vm13, $0x3F800000, v0  }
0x53: {  	v14 =	vmul.f32 v17, v17;
	v11 =	vmul.f32 v18, v18;
	v27 =	vsel vm14, $0x3F800000, v0  }
0x54: {  	v17 =	vmul.f32 v21, v21;
	v28 =	vsel vm15, $0x3F800000, v0;
	v26 =	vmul.f32 v26, v26  }
.Ltmp0:
0x55: {  	v18 =	vmul.f32 v22, v22;
	v21 =	vsel vm6, $0x3F800000, v0;
	v29 =	vmul.f32 v24, v24;
	(pc) =	sbr.rel @p0 .LBB2_2-.Ltmp0, $4  }
0x56: {  	v30 =	vsel vm0, $0x3F800000, v0;
	v22 =	vmul.f32 v28, v26;
	v26 =	vmul.f32 v21, v26  }
0x57: {  	v19 =	vadd.f32 v28, v19;
	v20 =	vadd.f32 v21, v20;
	v21 =	vmul.f32 v27, v29  }
0x58: {  	v24 =	vadd.f32 v22, v23;
	v23 =	vadd.f32 v26, v25;
	v25 =	vmul.f32 v30, v29  }
0x59: {  	s19 =	sadd.s32 $0x80, s19;
	v20 =	vadd.f32 v30, v20;
	v22 =	vadd.f32 v27, v19;
	v19 =	vmul.f32 v15, v18  }
0x5a: {  	_ =	swait.ge [sflag:s13], $0x4000  }
0x5b: {  	[sflag:s13] =	ssyncset.done $0x0  }
0x5c: {  	[sflag:s13] =	ssyncadd.s32 $0xFFFFC000  }
0x5d: {  	v21 =	vadd.f32 v21, v24;
	v23 =	vadd.f32 v25, v23;
	v18 =	vmul.f32 v16, v18;
	_ =	swait.ge [sflag:s13], $0x4000  }
0x5e: {  	v15 =	vadd.f32 v15, v22;
	v16 =	vadd.f32 v16, v20;
	v20 =	vmul.f32 v13, v17;
	[sflag:s13] =	ssyncset.done $0x0  }
0x5f: {  	s18 =	simm.s32 $0x8040;
	v17 =	vmul.f32 v12, v17;
	v19 =	vadd.f32 v19, v21;
	v18 =	vadd.f32 v18, v23;
	[sflag:s13] =	ssyncadd.s32 $0xFFFFC000  }
0x60: {  	s17 =	simm.s32 $0xC040;
	v13 =	vadd.f32 v13, v15;
	v12 =	vadd.f32 v12, v16;
	v16 =	vmul.f32 v10, v14;
	v22 =	vld [tilespmem:s18+$0x30]  }
0x61: {  	v14 =	vmul.f32 v9, v14;
	v19 =	vadd.f32 v20, v19;
	v17 =	vadd.f32 v17, v18;
	v21 =	vld [tilespmem:s17+$0x30]  }
0x62: {  	v10 =	vadd.f32 v10, v13;
	v9 =	vadd.f32 v9, v12;
	v12 =	vmul.f32 v6, v11;
	v15 =	vld [tilespmem:s18+$0x20]  }
0x63: {  	v11 =	vmul.f32 v7, v11;
	v20 =	vld [tilespmem:s17+$0x20];
	v16 =	vadd.f32 v16, v19;
	v14 =	vadd.f32 v14, v17  }
0x64: {  	v13 =	vld [tilespmem:s18+$0x10];
	v6 =	vadd.f32 v6, v10;
	v7 =	vadd.f32 v7, v9;
	v9 =	vmul.f32 v4, v8  }
0x65: {  	v18 =	vld [tilespmem:s17+$0x10];
	v8 =	vmul.f32 v3, v8;
	v12 =	vadd.f32 v12, v16;
	v11 =	vadd.f32 v11, v14  }
0x66: {  	v10 =	vld [tilespmem:s18+$0x0];
	v4 =	vadd.f32 v4, v6;
	v3 =	vadd.f32 v3, v7;
	v7 =	vmul.f32 v2, v5  }
0x67: {  	v16 =	vld [tilespmem:s17+$0x0];
	v5 =	vmul.f32 v1, v5;
	v9 =	vadd.f32 v9, v12;
	v8 =	vadd.f32 v8, v11  }
0x68: {  	v6 =	vld [tilespmem:s18+$0xFFFFFFF0];
	v19 =	vadd.f32 v2, v4;
	v23 =	vadd.f32 v1, v3;
	vm0 =	vge.f32 v21, $3.000000120e-01  }
0x69: {  	v12 =	vld [tilespmem:s17+$0xFFFFFFF0];
	vm1 =	vlt.f32 v21, $1.000000010e-01;
	vm2 =	vge.f32 v20, $3.000000120e-01;
	vm3 =	vlt.f32 v20, $1.000000010e-01  }
0x6a: {  	v2 =	vld [tilespmem:s18+$0xFFFFFFE0];
	vm4 =	vge.f32 v18, $3.000000120e-01;
	v11 =	vsub.f32 v13, v18;
	v24 =	vadd.f32 v7, v9  }
0x6b: {  	v1 =	vld [tilespmem:s17+$0xFFFFFFE0];
	vm5 =	vlt.f32 v18, $1.000000010e-01;
	v25 =	vadd.f32 v5, v8;
	v5 =	vsub.f32 v22, v21  }
0x6c: {  	v4 =	vld [tilespmem:s17+$0xFFFFFFD0];
	v8 =	vsub.f32 v15, v20;
	vm6 =	vge.f32 v16, $3.000000120e-01;
	vm7 =	vlt.f32 v16, $1.000000010e-01  }
0x6d: {  	v3 =	vld [tilespmem:s18+$0xFFFFFFD0];
	v13 =	vsub.f32 v10, v16;
	v11 =	vmul.f32 v11, v11;
	v10 =	vsel vm6, $0x3F800000, v0  }
0x6e: {  	v8 =	vmul.f32 v8, v8;
	v5 =	vmul.f32 v5, v5;
	vm8 =	vge.f32 v12, $3.000000120e-01  }
0x6f: {  	v7 =	vld [tilespmem:s17+$0xFFFFFFC0];
	vm9 =	vlt.f32 v12, $1.000000010e-01;
	v17 =	vsub.f32 v6, v12;
	v6 =	vsel vm4, $0x3F800000, v0  }
0x70: {  	v9 =	vld [tilespmem:s18+$0xFFFFFFC0];
	v13 =	vmul.f32 v13, v13;
	vm10 =	vge.f32 v1, $3.000000120e-01;
	vm11 =	vlt.f32 v1, $1.000000010e-01  }
0x71: {  	vm12 =	vge.f32 v4, $3.000000120e-01;
	vm13 =	vlt.f32 v4, $1.000000010e-01;
	v18 =	vsub.f32 v2, v1  }
0x72: {  	v20 =	vsub.f32 v3, v4;
	v2 =	vsel vm0, $0x3F800000, v0;
	v1 =	vsel vm1, $0x3F800000, v0  }
0x73: {  	v4 =	vsel vm2, $0x3F800000, v0;
	v3 =	vsel vm3, $0x3F800000, v0;
	v14 =	vsel vm8, $0x3F800000, v0  }
0x74: {  	v12 =	vsel vm9, $0x3F800000, v0;
	vm14 =	vge.f32 v7, $3.000000120e-01;
	vm15 =	vlt.f32 v7, $1.000000010e-01  }
0x75: {  	v21 =	vsub.f32 v9, v7;
	v9 =	vsel vm7, $0x3F800000, v0;
	v7 =	vsel vm5, $0x3F800000, v0  }
0x76: {  	v15 =	vsel vm10, $0x3F800000, v0;
	v16 =	vsel vm11, $0x3F800000, v0;
	v22 =	vsel vm12, $0x3F800000, v0  }
0x77: {  	v17 =	vmul.f32 v17, v17;
	v26 =	vsel vm14, $0x3F800000, v0;
	v21 =	vmul.f32 v21, v21  }
0x78: {  	v27 =	vsel vm15, $0x3F800000, v0;
	v28 =	vmul.f32 v20, v20;
	v18 =	vmul.f32 v18, v18  }
0x79: {  	v30 =	vsel vm13, $0x3F800000, v0;
	v29 =	vmul.f32 v26, v21;
	v21 =	vmul.f32 v27, v21  }
0x7a: {  	v19 =	vadd.f32 v26, v19;
	v20 =	vmul.f32 v22, v28;
	v26 =	vadd.f32 v27, v23  }
0x7b: {  	v23 =	vadd.f32 v29, v24;
	v21 =	vadd.f32 v21, v25;
	v24 =	vmul.f32 v30, v28  }
0x7c: {  	s19 =	simm.s32 $0x80C0;
	s18 =	simm.s32 $0x0;
	v25 =	vadd.f32 v22, v19;
	v22 =	vadd.f32 v30, v26;
	v19 =	vmul.f32 v15, v18  }
.LBB2_4:
0x7d: {  	v26 =	vld [tilespmem:s19+$0x30];
	v20 =	vadd.f32 v20, v23;
	v21 =	vadd.f32 v24, v21;
	v18 =	vmul.f32 v16, v18;
	s17 =	sadd.s32 $0x80, s17  }
0x7e: {  	v23 =	vld [tilespmem:s17+$0x30];
	v15 =	vadd.f32 v15, v25;
	v16 =	vadd.f32 v16, v22;
	v22 =	vmul.f32 v14, v17  }
0x7f: {  	v17 =	vmul.f32 v12, v17;
	v24 =	vld [tilespmem:s19+$0x20];
	v19 =	vadd.f32 v19, v20;
	v18 =	vadd.f32 v18, v21  }
0x80: {  	v20 =	vld [tilespmem:s17+$0x20];
	v14 =	vadd.f32 v14, v15;
	v12 =	vadd.f32 v12, v16;
	v15 =	vmul.f32 v10, v13  }
0x81: {  	v13 =	vmul.f32 v9, v13;
	v16 =	vld [tilespmem:s19+$0x10];
	v19 =	vadd.f32 v22, v19;
	v17 =	vadd.f32 v17, v18  }
0x82: {  	v18 =	vld [tilespmem:s17+$0x10];
	v10 =	vadd.f32 v10, v14;
	v9 =	vadd.f32 v9, v12;
	v12 =	vmul.f32 v6, v11  }
0x83: {  	v11 =	vmul.f32 v7, v11;
	v14 =	vld [tilespmem:s19+$0x0];
	v15 =	vadd.f32 v15, v19;
	v13 =	vadd.f32 v13, v17  }
0x84: {  	v17 =	vld [tilespmem:s17+$0x0];
	v6 =	vadd.f32 v6, v10;
	v7 =	vadd.f32 v7, v9;
	v9 =	vmul.f32 v4, v8  }
0x85: {  	v8 =	vmul.f32 v3, v8;
	v10 =	vld [tilespmem:s19+$0xFFFFFFF0];
	v12 =	vadd.f32 v12, v15;
	v11 =	vadd.f32 v11, v13  }
0x86: {  	v13 =	vld [tilespmem:s17+$0xFFFFFFF0];
	v4 =	vadd.f32 v4, v6;
	v3 =	vadd.f32 v3, v7;
	v6 =	vmul.f32 v2, v5  }
0x87: {  	v5 =	vmul.f32 v1, v5;
	v7 =	vld [tilespmem:s19+$0xFFFFFFE0];
	v9 =	vadd.f32 v9, v12;
	v8 =	vadd.f32 v8, v11  }
0x88: {  	vm1 =	vge.f32 v23, $3.000000120e-01;
	v11 =	vld [tilespmem:s17+$0xFFFFFFE0];
	v19 =	vadd.f32 v2, v4;
	v21 =	vadd.f32 v1, v3  }
0x89: {  	vm2 =	vlt.f32 v23, $1.000000010e-01;
	v1 =	vld [tilespmem:s19+$0xFFFFFFD0];
	v22 =	vadd.f32 v6, v9;
	v25 =	vadd.f32 v5, v8  }
0x8a: {  	vm3 =	vge.f32 v20, $3.000000120e-01;
	vm4 =	vlt.f32 v20, $1.000000010e-01;
	v5 =	vsub.f32 v26, v23;
	v2 =	vld [tilespmem:s17+$0xFFFFFFD0]  }
0x8b: {  	vm7 =	vge.f32 v18, $3.000000120e-01;
	vm5 =	vlt.f32 v18, $1.000000010e-01;
	v8 =	vsub.f32 v24, v20;
	v3 =	vld [tilespmem:s17+$0xFFFFFFC0]  }
0x8c: {  	v18 =	vsub.f32 v16, v18;
	vm8 =	vge.f32 v17, $3.000000120e-01;
	vm9 =	vlt.f32 v17, $1.000000010e-01;
	v4 =	vld [tilespmem:s19+$0xFFFFFFC0]  }
0x8d: {  	v17 =	vsub.f32 v14, v17;
	vm10 =	vge.f32 v13, $3.000000120e-01;
	vm11 =	vlt.f32 v13, $1.000000010e-01  }
0x8e: {  	v20 =	vsub.f32 v10, v13;
	vm12 =	vge.f32 v11, $3.000000120e-01;
	vm13 =	vlt.f32 v11, $1.000000010e-01  }
0x8f: {  	v23 =	vsub.f32 v7, v11;
	vm14 =	vge.f32 v2, $3.000000120e-01;
	vm0 =	vlt.f32 v2, $1.000000010e-01  }
0x90: {  	s18 =	sadd.s32 $0x8, s18;
	v24 =	vsub.f32 v1, v2;
	vm15 =	vge.f32 v3, $3.000000120e-01;
	vm6 =	vlt.f32 v3, $1.000000010e-01  }
0x91: {  	p0 =	slt.u32 s18, $0x3F8;
	v2 =	vsel vm1, $0x3F800000, v0;
	v1 =	vsel vm2, $0x3F800000, v0;
	v26 =	vsub.f32 v4, v3  }
0x92: {  	v6 =	vsel vm7, $0x3F800000, v0;
	v4 =	vsel vm3, $0x3F800000, v0;
	v3 =	vsel vm4, $0x3F800000, v0  }
0x93: {  	v9 =	vsel vm9, $0x3F800000, v0;
	v10 =	vsel vm8, $0x3F800000, v0;
	v7 =	vsel vm5, $0x3F800000, v0  }
0x94: {  	v14 =	vsel vm10, $0x3F800000, v0;
	v12 =	vsel vm11, $0x3F800000, v0;
	v15 =	vsel vm12, $0x3F800000, v0  }
0x95: {  	v8 =	vmul.f32 v8, v8;
	v5 =	vmul.f32 v5, v5;
	v16 =	vsel vm13, $0x3F800000, v0  }
0x96: {  	v13 =	vmul.f32 v17, v17;
	v11 =	vmul.f32 v18, v18;
	v27 =	vsel vm14, $0x3F800000, v0  }
0x97: {  	v17 =	vmul.f32 v20, v20;
	v28 =	vsel vm15, $0x3F800000, v0;
	v26 =	vmul.f32 v26, v26  }
.Ltmp1:
0x98: {  	v18 =	vmul.f32 v23, v23;
	v20 =	vsel vm6, $0x3F800000, v0;
	v24 =	vmul.f32 v24, v24;
	(pc) =	sbr.rel @p0 .LBB2_4-.Ltmp1, $4  }
0x99: {  	v29 =	vsel vm0, $0x3F800000, v0;
	v23 =	vmul.f32 v28, v26;
	v26 =	vmul.f32 v20, v26  }
0x9a: {  	v19 =	vadd.f32 v28, v19;
	v28 =	vadd.f32 v20, v21;
	v20 =	vmul.f32 v27, v24  }
0x9b: {  	v24 =	vmul.f32 v29, v24;
	v23 =	vadd.f32 v23, v22;
	v21 =	vadd.f32 v26, v25  }
0x9c: {  	s19 =	sadd.s32 $0x80, s19;
	v25 =	vadd.f32 v27, v19;
	v22 =	vadd.f32 v29, v28;
	v19 =	vmul.f32 v15, v18  }
0x9d: {  	_ = 	snop  }
0x9e: {  	v20 =	vadd.f32 v20, v23;
	v15 =	vadd.f32 v15, v25  }
0x9f: {  	v21 =	vadd.f32 v24, v21;
	v18 =	vmul.f32 v16, v18;
	v39 =	vadd.f32 v16, v22  }
0xa0: {  	v40 =	vmul.f32 v14, v17;
	v19 =	vadd.f32 v19, v20;
	v41 =	vadd.f32 v14, v15  }
0xa1: {  	v43 =	vmul.f32 v12, v17;
	v42 =	vadd.f32 v18, v21;
	v44 =	vadd.f32 v12, v39  }
0xa2: {  	v45 =	vmul.f32 v10, v13;
	v46 =	vadd.f32 v40, v19;
	v47 =	vadd.f32 v10, v41  }
0xa3: {  	v49 =	vmul.f32 v9, v13;
	v48 =	vadd.f32 v43, v42;
	v50 =	vadd.f32 v9, v44  }
0xa4: {  	v51 =	vmul.f32 v6, v11;
	v52 =	vadd.f32 v45, v46;
	v53 =	vadd.f32 v6, v47  }
0xa5: {  	v55 =	vmul.f32 v7, v11;
	v54 =	vadd.f32 v49, v48;
	v56 =	vadd.f32 v7, v50  }
0xa6: {  	v57 =	vmul.f32 v4, v8;
	v12 =	vadd.f32 v51, v52;
	v58 =	vadd.f32 v4, v53  }
0xa7: {  	v60 =	vmul.f32 v3, v8;
	v59 =	vadd.f32 v55, v54;
	v3 =	vadd.f32 v3, v56  }
0xa8: {  	v61 =	vmul.f32 v2, v5;
	v9 =	vadd.f32 v57, v12;
	v2 =	vadd.f32 v2, v58  }
0xa9: {  	v63 =	vmul.f32 v1, v5;
	v62 =	vadd.f32 v60, v59;
	v1 =	vadd.f32 v1, v3  }
0xaa: {  	v3 =	vadd.f32 v61, v9;
	[tilespmem:$0x10000] =	vst v2  }
0xab: {  	s16 =	sadd.s32 $0x1, s16;
	v2 =	vadd.f32 v63, v62;
	[tilespmem:$0x10010] =	vst v1  }
0xac: {  	p0 =	sne.s32 s16, s6;
	[tilespmem:$0x10020] =	vst v3  }
.Ltmp2:
0xad: {  	[tilespmem:$0x10030] =	vst v2;
	(pc) =	sbr.rel @p0 .LBB2_1-.Ltmp2, $4  }
0xae: {  	[hbm4b:s5+s2] =	stream.linear.scatter [tilespmem:s14], [sflag:$0x3], $0x40, $0x38;
	[tilespmem:$0x10080] =	vst v63  }
0xaf: {  	_ =	swait.ge [sflag:s15], $0x40  }
0xb0: {  	[sflag:s15] =	ssyncset.done $0x0  }
0xb1: {  	[sflag:s15] =	ssyncadd.s32 $0xFFFFFFC0  }
0xb2: {  	_ =	sfence.sel $0x180000  }
0xb3: {  	[bflag:$0x0] =	sbarrier.arrive $0xFFFF  }
0xb4: {  	p0 =	sne.s32 s0, $0x0;
	_ =	strace $0x90000047  }
0xb5: {  	s0 =	sadd.s32 @!p0 $0x100000, s1;
	[bflag:$0x2] =	sbarrier.arrive $0xFFFF  }
0xb6: {  	[sflag:s0] =	ssyncadd.tile.s32 @!p0 $0x1;
	_ =	shalt  }
.Lfunc_end2:
_tile_overlayer_lowered:
.L_overlay_start_2:
0xb7: {  	(tag) =	ssettag $0x2  }
0xb8: {  	s0 =	rddreg [dreg:$0x0];
	s2 =	stileid.u32  }
0xb9: {  	s1 =	rddreg [dreg:$0x1];
	p0 =	sne.s32 s2, $0x0  }
0xba: {  	s3 =	rddreg [dreg:$0x2];
	[bflag:$0x3] =	sbarrier.arrive $0xFFFF;
	s2 =	simm.s32 @!p0 $0x1C03  }
0xbb: {  	[timem:s3], [sflag:s2] =	dma.local @!p0 [hbm:s0], s1  }
0xbc: {  	s0 =	simm.s32 @!p0 $0x3  }
0xbd: {  	_ =	swait.ge @!p0 [sflag:s0], s1  }
0xbe: {  	s1 =	ssub.s32 @!p0 $0x0, s1;
	[sflag:s0] =	ssyncset.done @!p0 $0x0  }
0xbf: {  	[sflag:s0] =	ssyncadd.s32 @!p0 s1  }
0xc0: {  	[bflag:$0x3] =	sbarrier.arrive $0xFFFF  }
0xc1: {  	_ =	shalt  }

</sc_bundles>
